<compile_context>
chip_gen: v7x
topology: tpu7x:2x2x1
jax: 0.10.2.dev20260603
libtpu: 0.0.44.dev20260713+nightly
codegen_flags: <defaults>
</compile_context>

<pallas_src>
import functools

import jax
import jax.numpy as jnp
from jax import lax
from jax.experimental import pallas as pl
from jax.experimental.pallas import tpu as pltpu
from jax.experimental.pallas import tpu_sc as plsc

_VOCAB = 1000000
_EMB = 64
_B = 4096
_L = 200
_N = _B * _L
_SCALE = 8.0

_NC = 2
_NS = 16
_NW = _NC * _NS
_CH = 128
_GRP = _N // (_NW * _CH)


def _emb_body(tokens_hbm, table_hbm, out_hbm, idx_v, rows_v, gsem0, gsem1):
    wid = lax.axis_index("s") * _NC + lax.axis_index("c")
    g0 = wid * _GRP

    pltpu.sync_copy(tokens_hbm.at[pl.ds(g0, _GRP)], idx_v)

    gsems = (gsem0, gsem1)

    def start_gather(g, b):
        pltpu.async_copy(table_hbm.at[idx_v.at[g]], rows_v.at[b], gsems[b])

    def wait_gather(g, b):
        pltpu.make_async_copy(
            table_hbm.at[idx_v.at[g]], rows_v.at[b], gsems[b]
        ).wait()

    start_gather(0, 0)
    start_gather(1, 1)

    def pair_body(i, carry):
        for b in range(2):
            g = 2 * i + b
            wait_gather(g, b)

            def scale_row(r, c):
                for j in range(_EMB // 16):
                    sl = pl.ds(j * 16, 16)
                    rows_v[b, r, sl] = rows_v[b, r, sl] * _SCALE
                return c

            lax.fori_loop(0, _CH, scale_row, 0, unroll=4)

            pltpu.sync_copy(
                rows_v.at[b], out_hbm.at[pl.ds((g0 + g) * _CH, _CH)]
            )

            @pl.when(g + 2 < _GRP)
            def _():
                start_gather(g + 2, b)

        return carry

    lax.fori_loop(0, _GRP // 2, pair_body, 0)


@jax.jit
def _embed(tokens2d, table):
    run = functools.partial(
        pl.kernel,
        mesh=plsc.VectorSubcoreMesh(core_axis_name="c", subcore_axis_name="s"),
        out_type=jax.ShapeDtypeStruct((_N, _EMB), jnp.float32),
        scratch_types=[
            pltpu.VMEM((_GRP, _CH), jnp.int32),
            pltpu.VMEM((2, _CH, _EMB), jnp.float32),
            pltpu.SemaphoreType.DMA,
            pltpu.SemaphoreType.DMA,
        ],
        compiler_params=pltpu.CompilerParams(use_tc_tiling_on_sc=False),
    )(_emb_body)
    return run(tokens2d, table)


def kernel(tokens, table):
    tokens2d = tokens.reshape(_N // _CH, _CH)
    out = _embed(tokens2d, table)
    return out.reshape(_B, _L, _EMB)

# --- scband reference (transcript-rebuilt; emitter-appended) ---
"""Pipeline reference for scband-token-embedding-8830452760690 (READ-ONLY COPY).

The authoritative reference and input builder live on the scoring server;
editing this copy changes nothing except your own understanding.
"""

import jax, jax.numpy as jnp
import numpy as np
import math

VOCAB = 1000000
EMB = 64
B = 4096
L = 200

def setup_inputs(seed: int = 0) -> dict:
    key = jax.random.key(seed)
    k_tok, k_tab = jax.random.split(key)
    tokens = jax.random.randint(k_tok, (B, L), 0, VOCAB, dtype=jnp.int64 if jax.config.jax_enable_x64 else jnp.int32).astype(jnp.int32)
    table = jax.random.normal(k_tab, (VOCAB, EMB), dtype=jnp.float32)
    return {"tokens": tokens, "table": table}

def reference(tokens, table):
    # TokenEmbedding.forward: embedding(tokens.long()) * sqrt(embedding_size)
    emb = jnp.take(table, tokens, axis=0)
    return emb * math.sqrt(EMB)

if __name__ == "__main__":
    import jax
    _d = setup_inputs()
    print(jax.jit(kernel)(*tuple(_d.values())))

</pallas_src>

<mosaic_0001>
#map = affine_map<(d0, d1) -> (0, 0)>
module attributes {stable_mosaic.version = 14 : i64} {
  func.func @_emb_body(%arg0: i32, %arg1: i32, %arg2: memref<6400x128xi32, #tpu.memory_space<hbm>>, %arg3: memref<1000000x64xf32, #tpu.memory_space<hbm>>, %arg4: memref<819200x64xf32, #tpu.memory_space<hbm>>, %arg5: memref<200x128xi32, #tpu.memory_space<vmem>>, %arg6: memref<2x128x64xf32, #tpu.memory_space<vmem>>, %arg7: memref<!tpu.dma_semaphore, #tpu.memory_space<semaphore_mem>>, %arg8: memref<!tpu.dma_semaphore, #tpu.memory_space<semaphore_mem>>) attributes {dimension_semantics = [#tpu.dimension_semantics<core_parallel>, #tpu.dimension_semantics<subcore_parallel>], iteration_bounds = array<i64: 2, 16>, scalar_prefetch = 0 : i64, scratch_operands = 4 : i64, tpu.core_type = #tpu.core_type<sc_vector_subcore>, window_params = [{transform_indices = #map}, {transform_indices = #map}, {transform_indices = #map}]} {
    %mul3A = arith.constant 2 : i32
    %mul3A_0 = arith.muli %arg1, %mul3A : i32
    %add3A = arith.addi %mul3A_0, %arg0 : i32
    %mul3A_1 = arith.constant 200 : i32
    %mul3A_2 = arith.muli %add3A, %mul3A_1 : i32
    "tpu.region"() ({
      %run_scoped3A = tpu.sem_alloc : memref<!tpu.dma_semaphore, #tpu.memory_space<semaphore_mem>>
      %dma_start3A_31 = arith.constant 0 : i32
      %dma_start3A_32 = tpu.memref_slice %arg2[%mul3A_2, %dma_start3A_31] : memref<6400x128xi32, #tpu.memory_space<hbm>> -> memref<200x128xi32, #tpu.memory_space<hbm>>
      %dma_start3A_33 = arith.constant 0 : i32
      %dma_start3A_34 = tpu.memref_slice %arg2[%mul3A_2, %dma_start3A_33] : memref<6400x128xi32, #tpu.memory_space<hbm>> -> memref<200x128xi32, #tpu.memory_space<hbm>>
      tpu.enqueue_dma source(%dma_start3A_34 : memref<200x128xi32, #tpu.memory_space<hbm>>) target(%arg5 : memref<200x128xi32, #tpu.memory_space<vmem>>) target_semaphore(%run_scoped3A : memref<!tpu.dma_semaphore, #tpu.memory_space<semaphore_mem>>)
      %dma_wait3A = arith.constant 0 : i32
      %dma_wait3A_35 = tpu.memref_slice %arg2[%mul3A_2, %dma_wait3A] : memref<6400x128xi32, #tpu.memory_space<hbm>> -> memref<200x128xi32, #tpu.memory_space<hbm>>
      %dma_wait3A_36 = arith.constant 0 : i32
      %dma_wait3A_37 = tpu.memref_slice %arg2[%mul3A_2, %dma_wait3A_36] : memref<6400x128xi32, #tpu.memory_space<hbm>> -> memref<200x128xi32, #tpu.memory_space<hbm>>
      tpu.wait_dma2 semaphore(%run_scoped3A : memref<!tpu.dma_semaphore, #tpu.memory_space<semaphore_mem>>) src(%dma_wait3A_37 : memref<200x128xi32, #tpu.memory_space<hbm>>) dst(%arg5 : memref<200x128xi32, #tpu.memory_space<vmem>>)
      tpu.yield
    }) : () -> ()
    %dma_start3A = arith.constant 0 : i32
    %dma_start3A_3 = arith.constant 0 : i32
    %dma_start3A_4 = arith.constant 0 : i32
    %dma_start3A_5 = arith.constant 0 : i32
    %dma_start3A_6 = tpu.memref_slice %arg6[%dma_start3A_3, %dma_start3A_4, %dma_start3A_5] : memref<2x128x64xf32, #tpu.memory_space<vmem>> -> memref<1x128x64xf32, #tpu.memory_space<vmem>>
    %dma_start3A_7 = tpu.memref_squeeze %dma_start3A_6 : memref<1x128x64xf32, #tpu.memory_space<vmem>> -> memref<128x64xf32, #tpu.memory_space<vmem>>
    %dma_start3A_8 = arith.constant 0 : i32
    %dma_start3A_9 = tpu.memref_slice %arg5[%dma_start3A, %dma_start3A_8] : memref<200x128xi32, #tpu.memory_space<vmem>> -> memref<1x128xi32, #tpu.memory_space<vmem>>
    %dma_start3A_10 = tpu.memref_squeeze %dma_start3A_9 : memref<1x128xi32, #tpu.memory_space<vmem>> -> memref<128xi32, #tpu.memory_space<vmem>>
    %dma_start3A_11 = arith.constant 0 : i32
    %dma_start3A_12 = arith.constant 0 : i32
    %dma_start3A_13 = tpu.memref_slice %arg3[%dma_start3A_11, %dma_start3A_12] : memref<1000000x64xf32, #tpu.memory_space<hbm>> -> memref<1000000x64xf32, #tpu.memory_space<hbm>>
    tpu.enqueue_indirect_dma source(%dma_start3A_13 : memref<1000000x64xf32, #tpu.memory_space<hbm>>) target(%dma_start3A_7 : memref<128x64xf32, #tpu.memory_space<vmem>>) offsets(%dma_start3A_10 : memref<128xi32, #tpu.memory_space<vmem>>) semaphore(%arg7 : memref<!tpu.dma_semaphore, #tpu.memory_space<semaphore_mem>>)
    %dma_start3A_14 = arith.constant 1 : i32
    %dma_start3A_15 = arith.constant 1 : i32
    %dma_start3A_16 = arith.constant 0 : i32
    %dma_start3A_17 = arith.constant 0 : i32
    %dma_start3A_18 = tpu.memref_slice %arg6[%dma_start3A_15, %dma_start3A_16, %dma_start3A_17] : memref<2x128x64xf32, #tpu.memory_space<vmem>> -> memref<1x128x64xf32, #tpu.memory_space<vmem>>
    %dma_start3A_19 = tpu.memref_squeeze %dma_start3A_18 : memref<1x128x64xf32, #tpu.memory_space<vmem>> -> memref<128x64xf32, #tpu.memory_space<vmem>>
    %dma_start3A_20 = arith.constant 0 : i32
    %dma_start3A_21 = tpu.memref_slice %arg5[%dma_start3A_14, %dma_start3A_20] : memref<200x128xi32, #tpu.memory_space<vmem>> -> memref<1x128xi32, #tpu.memory_space<vmem>>
    %dma_start3A_22 = tpu.memref_squeeze %dma_start3A_21 : memref<1x128xi32, #tpu.memory_space<vmem>> -> memref<128xi32, #tpu.memory_space<vmem>>
    %dma_start3A_23 = arith.constant 0 : i32
    %dma_start3A_24 = arith.constant 0 : i32
    %dma_start3A_25 = tpu.memref_slice %arg3[%dma_start3A_23, %dma_start3A_24] : memref<1000000x64xf32, #tpu.memory_space<hbm>> -> memref<1000000x64xf32, #tpu.memory_space<hbm>>
    tpu.enqueue_indirect_dma source(%dma_start3A_25 : memref<1000000x64xf32, #tpu.memory_space<hbm>>) target(%dma_start3A_19 : memref<128x64xf32, #tpu.memory_space<vmem>>) offsets(%dma_start3A_22 : memref<128xi32, #tpu.memory_space<vmem>>) semaphore(%arg8 : memref<!tpu.dma_semaphore, #tpu.memory_space<semaphore_mem>>)
    %scan3A = arith.constant 0 : i32
    %scan3A_26 = arith.constant 0 : i32
    %scan3A_27 = arith.constant 100 : i32
    %scan3A_28 = arith.addi %scan3A_26, %scan3A_27 : i32
    %scan3A_29 = arith.constant 1 : i32
    scf.for %scan3A_31 = %scan3A_26 to %scan3A_28 step %scan3A_29  : i32 {
      %mul3A_32 = arith.constant 2 : i32
      %mul3A_33 = arith.muli %mul3A_32, %scan3A_31 : i32
      %add3A_34 = arith.constant 0 : i32
      %add3A_35 = arith.addi %mul3A_33, %add3A_34 : i32
      %dma_wait3A = arith.constant 0 : i32
      %dma_wait3A_36 = arith.constant 0 : i32
      %dma_wait3A_37 = arith.constant 0 : i32
      %dma_wait3A_38 = tpu.memref_slice %arg6[%dma_wait3A, %dma_wait3A_36, %dma_wait3A_37] : memref<2x128x64xf32, #tpu.memory_space<vmem>> -> memref<1x128x64xf32, #tpu.memory_space<vmem>>
      %dma_wait3A_39 = tpu.memref_squeeze %dma_wait3A_38 : memref<1x128x64xf32, #tpu.memory_space<vmem>> -> memref<128x64xf32, #tpu.memory_space<vmem>>
      %dma_wait3A_40 = arith.constant 0 : i32
      %dma_wait3A_41 = tpu.memref_slice %arg5[%add3A_35, %dma_wait3A_40] : memref<200x128xi32, #tpu.memory_space<vmem>> -> memref<1x128xi32, #tpu.memory_space<vmem>>
      %dma_wait3A_42 = tpu.memref_squeeze %dma_wait3A_41 : memref<1x128xi32, #tpu.memory_space<vmem>> -> memref<128xi32, #tpu.memory_space<vmem>>
      %dma_wait3A_43 = arith.constant 0 : i32
      %dma_wait3A_44 = arith.constant 0 : i32
      %dma_wait3A_45 = tpu.memref_slice %arg3[%dma_wait3A_43, %dma_wait3A_44] : memref<1000000x64xf32, #tpu.memory_space<hbm>> -> memref<1000000x64xf32, #tpu.memory_space<hbm>>
      tpu.wait_indirect_dma semaphore(%arg7 : memref<!tpu.dma_semaphore, #tpu.memory_space<semaphore_mem>>) src(%dma_wait3A_45 : memref<1000000x64xf32, #tpu.memory_space<hbm>>) dst(%dma_wait3A_39 : memref<128x64xf32, #tpu.memory_space<vmem>>)
      %scan3A_46 = arith.constant 0 : i32
      %scan3A_47 = arith.constant 0 : i32
      %scan3A_48 = arith.constant 128 : i32
      %scan3A_49 = arith.addi %scan3A_47, %scan3A_48 : i32
      %scan3A_50 = arith.constant 4 : i32
      scf.for %scan3A_91 = %scan3A_47 to %scan3A_49 step %scan3A_50  : i32 {
        %get3A = arith.constant 0 : i32
        %get3A_92 = arith.index_cast %get3A : i32 to index
        %get3A_93 = arith.index_cast %scan3A_91 : i32 to index
        %get3A_94 = arith.constant 0 : index
        %get3A_95 = tpu.vector_load %arg6[%get3A_92, %get3A_93, %get3A_94] {strides = array<i32>} : memref<2x128x64xf32, #tpu.memory_space<vmem>>, vector<1x1x16xf32>,
        %get3A_96 = vector.shape_cast %get3A_95 : vector<1x1x16xf32> to vector<16xf32>
        %mul3A_97 = arith.constant 8.000000e+00 : f32
        %mul3A_98 = vector.broadcast %mul3A_97 : f32 to vector<16xf32>
        %mul3A_99 = arith.mulf %get3A_96, %mul3A_98 : vector<16xf32>
        %swap3A = arith.constant 0 : i32
        %swap3A_100 = arith.index_cast %swap3A : i32 to index
        %swap3A_101 = arith.index_cast %scan3A_91 : i32 to index
        %swap3A_102 = arith.constant 0 : index
        %swap3A_103 = tpu.vector_load %arg6[%swap3A_100, %swap3A_101, %swap3A_102] {strides = array<i32>} : memref<2x128x64xf32, #tpu.memory_space<vmem>>, vector<1x1x16xf32>,
        %swap3A_104 = vector.shape_cast %swap3A_103 : vector<1x1x16xf32> to vector<16xf32>
        %swap3A_105 = vector.shape_cast %mul3A_99 : vector<16xf32> to vector<1x1x16xf32>
        tpu.vector_store %arg6[%swap3A_100, %swap3A_101, %swap3A_102], %swap3A_105 {strides = array<i32>} : memref<2x128x64xf32, #tpu.memory_space<vmem>>, vector<1x1x16xf32>,
        %get3A_106 = arith.constant 0 : i32
        %get3A_107 = arith.index_cast %get3A_106 : i32 to index
        %get3A_108 = arith.index_cast %scan3A_91 : i32 to index
        %get3A_109 = arith.constant 16 : index
        %get3A_110 = tpu.vector_load %arg6[%get3A_107, %get3A_108, %get3A_109] {strides = array<i32>} : memref<2x128x64xf32, #tpu.memory_space<vmem>>, vector<1x1x16xf32>,
        %get3A_111 = vector.shape_cast %get3A_110 : vector<1x1x16xf32> to vector<16xf32>
        %mul3A_112 = arith.constant 8.000000e+00 : f32
        %mul3A_113 = vector.broadcast %mul3A_112 : f32 to vector<16xf32>
        %mul3A_114 = arith.mulf %get3A_111, %mul3A_113 : vector<16xf32>
        %swap3A_115 = arith.constant 0 : i32
        %swap3A_116 = arith.index_cast %swap3A_115 : i32 to index
        %swap3A_117 = arith.index_cast %scan3A_91 : i32 to index
        %swap3A_118 = arith.constant 16 : index
        %swap3A_119 = tpu.vector_load %arg6[%swap3A_116, %swap3A_117, %swap3A_118] {strides = array<i32>} : memref<2x128x64xf32, #tpu.memory_space<vmem>>, vector<1x1x16xf32>,
        %swap3A_120 = vector.shape_cast %swap3A_119 : vector<1x1x16xf32> to vector<16xf32>
        %swap3A_121 = vector.shape_cast %mul3A_114 : vector<16xf32> to vector<1x1x16xf32>
        tpu.vector_store %arg6[%swap3A_116, %swap3A_117, %swap3A_118], %swap3A_121 {strides = array<i32>} : memref<2x128x64xf32, #tpu.memory_space<vmem>>, vector<1x1x16xf32>,
        %get3A_122 = arith.constant 0 : i32
        %get3A_123 = arith.index_cast %get3A_122 : i32 to index
        %get3A_124 = arith.index_cast %scan3A_91 : i32 to index
        %get3A_125 = arith.constant 32 : index
        %get3A_126 = tpu.vector_load %arg6[%get3A_123, %get3A_124, %get3A_125] {strides = array<i32>} : memref<2x128x64xf32, #tpu.memory_space<vmem>>, vector<1x1x16xf32>,
        %get3A_127 = vector.shape_cast %get3A_126 : vector<1x1x16xf32> to vector<16xf32>
        %mul3A_128 = arith.constant 8.000000e+00 : f32
        %mul3A_129 = vector.broadcast %mul3A_128 : f32 to vector<16xf32>
        %mul3A_130 = arith.mulf %get3A_127, %mul3A_129 : vector<16xf32>
        %swap3A_131 = arith.constant 0 : i32
        %swap3A_132 = arith.index_cast %swap3A_131 : i32 to index
        %swap3A_133 = arith.index_cast %scan3A_91 : i32 to index
        %swap3A_134 = arith.constant 32 : index
        %swap3A_135 = tpu.vector_load %arg6[%swap3A_132, %swap3A_133, %swap3A_134] {strides = array<i32>} : memref<2x128x64xf32, #tpu.memory_space<vmem>>, vector<1x1x16xf32>,
        %swap3A_136 = vector.shape_cast %swap3A_135 : vector<1x1x16xf32> to vector<16xf32>
        %swap3A_137 = vector.shape_cast %mul3A_130 : vector<16xf32> to vector<1x1x16xf32>
        tpu.vector_store %arg6[%swap3A_132, %swap3A_133, %swap3A_134], %swap3A_137 {strides = array<i32>} : memref<2x128x64xf32, #tpu.memory_space<vmem>>, vector<1x1x16xf32>,
        %get3A_138 = arith.constant 0 : i32
        %get3A_139 = arith.index_cast %get3A_138 : i32 to index
        %get3A_140 = arith.index_cast %scan3A_91 : i32 to index
        %get3A_141 = arith.constant 48 : index
        %get3A_142 = tpu.vector_load %arg6[%get3A_139, %get3A_140, %get3A_141] {strides = array<i32>} : memref<2x128x64xf32, #tpu.memory_space<vmem>>, vector<1x1x16xf32>,
        %get3A_143 = vector.shape_cast %get3A_142 : vector<1x1x16xf32> to vector<16xf32>
        %mul3A_144 = arith.constant 8.000000e+00 : f32
        %mul3A_145 = vector.broadcast %mul3A_144 : f32 to vector<16xf32>
        %mul3A_146 = arith.mulf %get3A_143, %mul3A_145 : vector<16xf32>
        %swap3A_147 = arith.constant 0 : i32
        %swap3A_148 = arith.index_cast %swap3A_147 : i32 to index
        %swap3A_149 = arith.index_cast %scan3A_91 : i32 to index
        %swap3A_150 = arith.constant 48 : index
        %swap3A_151 = tpu.vector_load %arg6[%swap3A_148, %swap3A_149, %swap3A_150] {strides = array<i32>} : memref<2x128x64xf32, #tpu.memory_space<vmem>>, vector<1x1x16xf32>,
        %swap3A_152 = vector.shape_cast %swap3A_151 : vector<1x1x16xf32> to vector<16xf32>
        %swap3A_153 = vector.shape_cast %mul3A_146 : vector<16xf32> to vector<1x1x16xf32>
        tpu.vector_store %arg6[%swap3A_148, %swap3A_149, %swap3A_150], %swap3A_153 {strides = array<i32>} : memref<2x128x64xf32, #tpu.memory_space<vmem>>, vector<1x1x16xf32>,
        %scan3A_154 = arith.constant 1 : i32
        %scan3A_155 = arith.addi %scan3A_91, %scan3A_154 : i32
        %get3A_156 = arith.constant 0 : i32
        %get3A_157 = arith.index_cast %get3A_156 : i32 to index
        %get3A_158 = arith.index_cast %scan3A_155 : i32 to index
        %get3A_159 = arith.constant 0 : index
        %get3A_160 = tpu.vector_load %arg6[%get3A_157, %get3A_158, %get3A_159] {strides = array<i32>} : memref<2x128x64xf32, #tpu.memory_space<vmem>>, vector<1x1x16xf32>,
        %get3A_161 = vector.shape_cast %get3A_160 : vector<1x1x16xf32> to vector<16xf32>
        %mul3A_162 = arith.constant 8.000000e+00 : f32
        %mul3A_163 = vector.broadcast %mul3A_162 : f32 to vector<16xf32>
        %mul3A_164 = arith.mulf %get3A_161, %mul3A_163 : vector<16xf32>
        %swap3A_165 = arith.constant 0 : i32
        %swap3A_166 = arith.index_cast %swap3A_165 : i32 to index
        %swap3A_167 = arith.index_cast %scan3A_155 : i32 to index
        %swap3A_168 = arith.constant 0 : index
        %swap3A_169 = tpu.vector_load %arg6[%swap3A_166, %swap3A_167, %swap3A_168] {strides = array<i32>} : memref<2x128x64xf32, #tpu.memory_space<vmem>>, vector<1x1x16xf32>,
        %swap3A_170 = vector.shape_cast %swap3A_169 : vector<1x1x16xf32> to vector<16xf32>
        %swap3A_171 = vector.shape_cast %mul3A_164 : vector<16xf32> to vector<1x1x16xf32>
        tpu.vector_store %arg6[%swap3A_166, %swap3A_167, %swap3A_168], %swap3A_171 {strides = array<i32>} : memref<2x128x64xf32, #tpu.memory_space<vmem>>, vector<1x1x16xf32>,
        %get3A_172 = arith.constant 0 : i32
        %get3A_173 = arith.index_cast %get3A_172 : i32 to index
        %get3A_174 = arith.index_cast %scan3A_155 : i32 to index
        %get3A_175 = arith.constant 16 : index
        %get3A_176 = tpu.vector_load %arg6[%get3A_173, %get3A_174, %get3A_175] {strides = array<i32>} : memref<2x128x64xf32, #tpu.memory_space<vmem>>, vector<1x1x16xf32>,
        %get3A_177 = vector.shape_cast %get3A_176 : vector<1x1x16xf32> to vector<16xf32>
        %mul3A_178 = arith.constant 8.000000e+00 : f32
        %mul3A_179 = vector.broadcast %mul3A_178 : f32 to vector<16xf32>
        %mul3A_180 = arith.mulf %get3A_177, %mul3A_179 : vector<16xf32>
        %swap3A_181 = arith.constant 0 : i32
        %swap3A_182 = arith.index_cast %swap3A_181 : i32 to index
        %swap3A_183 = arith.index_cast %scan3A_155 : i32 to index
        %swap3A_184 = arith.constant 16 : index
        %swap3A_185 = tpu.vector_load %arg6[%swap3A_182, %swap3A_183, %swap3A_184] {strides = array<i32>} : memref<2x128x64xf32, #tpu.memory_space<vmem>>, vector<1x1x16xf32>,
        %swap3A_186 = vector.shape_cast %swap3A_185 : vector<1x1x16xf32> to vector<16xf32>
        %swap3A_187 = vector.shape_cast %mul3A_180 : vector<16xf32> to vector<1x1x16xf32>
        tpu.vector_store %arg6[%swap3A_182, %swap3A_183, %swap3A_184], %swap3A_187 {strides = array<i32>} : memref<2x128x64xf32, #tpu.memory_space<vmem>>, vector<1x1x16xf32>,
        %get3A_188 = arith.constant 0 : i32
        %get3A_189 = arith.index_cast %get3A_188 : i32 to index
        %get3A_190 = arith.index_cast %scan3A_155 : i32 to index
        %get3A_191 = arith.constant 32 : index
        %get3A_192 = tpu.vector_load %arg6[%get3A_189, %get3A_190, %get3A_191] {strides = array<i32>} : memref<2x128x64xf32, #tpu.memory_space<vmem>>, vector<1x1x16xf32>,
        %get3A_193 = vector.shape_cast %get3A_192 : vector<1x1x16xf32> to vector<16xf32>
        %mul3A_194 = arith.constant 8.000000e+00 : f32
        %mul3A_195 = vector.broadcast %mul3A_194 : f32 to vector<16xf32>
        %mul3A_196 = arith.mulf %get3A_193, %mul3A_195 : vector<16xf32>
        %swap3A_197 = arith.constant 0 : i32
        %swap3A_198 = arith.index_cast %swap3A_197 : i32 to index
        %swap3A_199 = arith.index_cast %scan3A_155 : i32 to index
        %swap3A_200 = arith.constant 32 : index
        %swap3A_201 = tpu.vector_load %arg6[%swap3A_198, %swap3A_199, %swap3A_200] {strides = array<i32>} : memref<2x128x64xf32, #tpu.memory_space<vmem>>, vector<1x1x16xf32>,
        %swap3A_202 = vector.shape_cast %swap3A_201 : vector<1x1x16xf32> to vector<16xf32>
        %swap3A_203 = vector.shape_cast %mul3A_196 : vector<16xf32> to vector<1x1x16xf32>
        tpu.vector_store %arg6[%swap3A_198, %swap3A_199, %swap3A_200], %swap3A_203 {strides = array<i32>} : memref<2x128x64xf32, #tpu.memory_space<vmem>>, vector<1x1x16xf32>,
        %get3A_204 = arith.constant 0 : i32
        %get3A_205 = arith.index_cast %get3A_204 : i32 to index
        %get3A_206 = arith.index_cast %scan3A_155 : i32 to index
        %get3A_207 = arith.constant 48 : index
        %get3A_208 = tpu.vector_load %arg6[%get3A_205, %get3A_206, %get3A_207] {strides = array<i32>} : memref<2x128x64xf32, #tpu.memory_space<vmem>>, vector<1x1x16xf32>,
        %get3A_209 = vector.shape_cast %get3A_208 : vector<1x1x16xf32> to vector<16xf32>
        %mul3A_210 = arith.constant 8.000000e+00 : f32
        %mul3A_211 = vector.broadcast %mul3A_210 : f32 to vector<16xf32>
        %mul3A_212 = arith.mulf %get3A_209, %mul3A_211 : vector<16xf32>
        %swap3A_213 = arith.constant 0 : i32
        %swap3A_214 = arith.index_cast %swap3A_213 : i32 to index
        %swap3A_215 = arith.index_cast %scan3A_155 : i32 to index
        %swap3A_216 = arith.constant 48 : index
        %swap3A_217 = tpu.vector_load %arg6[%swap3A_214, %swap3A_215, %swap3A_216] {strides = array<i32>} : memref<2x128x64xf32, #tpu.memory_space<vmem>>, vector<1x1x16xf32>,
        %swap3A_218 = vector.shape_cast %swap3A_217 : vector<1x1x16xf32> to vector<16xf32>
        %swap3A_219 = vector.shape_cast %mul3A_212 : vector<16xf32> to vector<1x1x16xf32>
        tpu.vector_store %arg6[%swap3A_214, %swap3A_215, %swap3A_216], %swap3A_219 {strides = array<i32>} : memref<2x128x64xf32, #tpu.memory_space<vmem>>, vector<1x1x16xf32>,
        %scan3A_220 = arith.constant 2 : i32
        %scan3A_221 = arith.addi %scan3A_91, %scan3A_220 : i32
        %get3A_222 = arith.constant 0 : i32
        %get3A_223 = arith.index_cast %get3A_222 : i32 to index
        %get3A_224 = arith.index_cast %scan3A_221 : i32 to index
        %get3A_225 = arith.constant 0 : index
        %get3A_226 = tpu.vector_load %arg6[%get3A_223, %get3A_224, %get3A_225] {strides = array<i32>} : memref<2x128x64xf32, #tpu.memory_space<vmem>>, vector<1x1x16xf32>,
        %get3A_227 = vector.shape_cast %get3A_226 : vector<1x1x16xf32> to vector<16xf32>
        %mul3A_228 = arith.constant 8.000000e+00 : f32
        %mul3A_229 = vector.broadcast %mul3A_228 : f32 to vector<16xf32>
        %mul3A_230 = arith.mulf %get3A_227, %mul3A_229 : vector<16xf32>
        %swap3A_231 = arith.constant 0 : i32
        %swap3A_232 = arith.index_cast %swap3A_231 : i32 to index
        %swap3A_233 = arith.index_cast %scan3A_221 : i32 to index
        %swap3A_234 = arith.constant 0 : index
        %swap3A_235 = tpu.vector_load %arg6[%swap3A_232, %swap3A_233, %swap3A_234] {strides = array<i32>} : memref<2x128x64xf32, #tpu.memory_space<vmem>>, vector<1x1x16xf32>,
        %swap3A_236 = vector.shape_cast %swap3A_235 : vector<1x1x16xf32> to vector<16xf32>
        %swap3A_237 = vector.shape_cast %mul3A_230 : vector<16xf32> to vector<1x1x16xf32>
        tpu.vector_store %arg6[%swap3A_232, %swap3A_233, %swap3A_234], %swap3A_237 {strides = array<i32>} : memref<2x128x64xf32, #tpu.memory_space<vmem>>, vector<1x1x16xf32>,
        %get3A_238 = arith.constant 0 : i32
        %get3A_239 = arith.index_cast %get3A_238 : i32 to index
        %get3A_240 = arith.index_cast %scan3A_221 : i32 to index
        %get3A_241 = arith.constant 16 : index
        %get3A_242 = tpu.vector_load %arg6[%get3A_239, %get3A_240, %get3A_241] {strides = array<i32>} : memref<2x128x64xf32, #tpu.memory_space<vmem>>, vector<1x1x16xf32>,
        %get3A_243 = vector.shape_cast %get3A_242 : vector<1x1x16xf32> to vector<16xf32>
        %mul3A_244 = arith.constant 8.000000e+00 : f32
        %mul3A_245 = vector.broadcast %mul3A_244 : f32 to vector<16xf32>
        %mul3A_246 = arith.mulf %get3A_243, %mul3A_245 : vector<16xf32>
        %swap3A_247 = arith.constant 0 : i32
        %swap3A_248 = arith.index_cast %swap3A_247 : i32 to index
        %swap3A_249 = arith.index_cast %scan3A_221 : i32 to index
        %swap3A_250 = arith.constant 16 : index
        %swap3A_251 = tpu.vector_load %arg6[%swap3A_248, %swap3A_249, %swap3A_250] {strides = array<i32>} : memref<2x128x64xf32, #tpu.memory_space<vmem>>, vector<1x1x16xf32>,
        %swap3A_252 = vector.shape_cast %swap3A_251 : vector<1x1x16xf32> to vector<16xf32>
        %swap3A_253 = vector.shape_cast %mul3A_246 : vector<16xf32> to vector<1x1x16xf32>
        tpu.vector_store %arg6[%swap3A_248, %swap3A_249, %swap3A_250], %swap3A_253 {strides = array<i32>} : memref<2x128x64xf32, #tpu.memory_space<vmem>>, vector<1x1x16xf32>,
        %get3A_254 = arith.constant 0 : i32
        %get3A_255 = arith.index_cast %get3A_254 : i32 to index
        %get3A_256 = arith.index_cast %scan3A_221 : i32 to index
        %get3A_257 = arith.constant 32 : index
        %get3A_258 = tpu.vector_load %arg6[%get3A_255, %get3A_256, %get3A_257] {strides = array<i32>} : memref<2x128x64xf32, #tpu.memory_space<vmem>>, vector<1x1x16xf32>,
        %get3A_259 = vector.shape_cast %get3A_258 : vector<1x1x16xf32> to vector<16xf32>
        %mul3A_260 = arith.constant 8.000000e+00 : f32
        %mul3A_261 = vector.broadcast %mul3A_260 : f32 to vector<16xf32>
        %mul3A_262 = arith.mulf %get3A_259, %mul3A_261 : vector<16xf32>
        %swap3A_263 = arith.constant 0 : i32
        %swap3A_264 = arith.index_cast %swap3A_263 : i32 to index
        %swap3A_265 = arith.index_cast %scan3A_221 : i32 to index
        %swap3A_266 = arith.constant 32 : index
        %swap3A_267 = tpu.vector_load %arg6[%swap3A_264, %swap3A_265, %swap3A_266] {strides = array<i32>} : memref<2x128x64xf32, #tpu.memory_space<vmem>>, vector<1x1x16xf32>,
        %swap3A_268 = vector.shape_cast %swap3A_267 : vector<1x1x16xf32> to vector<16xf32>
        %swap3A_269 = vector.shape_cast %mul3A_262 : vector<16xf32> to vector<1x1x16xf32>
        tpu.vector_store %arg6[%swap3A_264, %swap3A_265, %swap3A_266], %swap3A_269 {strides = array<i32>} : memref<2x128x64xf32, #tpu.memory_space<vmem>>, vector<1x1x16xf32>,
        %get3A_270 = arith.constant 0 : i32
        %get3A_271 = arith.index_cast %get3A_270 : i32 to index
        %get3A_272 = arith.index_cast %scan3A_221 : i32 to index
        %get3A_273 = arith.constant 48 : index
        %get3A_274 = tpu.vector_load %arg6[%get3A_271, %get3A_272, %get3A_273] {strides = array<i32>} : memref<2x128x64xf32, #tpu.memory_space<vmem>>, vector<1x1x16xf32>,
        %get3A_275 = vector.shape_cast %get3A_274 : vector<1x1x16xf32> to vector<16xf32>
        %mul3A_276 = arith.constant 8.000000e+00 : f32
        %mul3A_277 = vector.broadcast %mul3A_276 : f32 to vector<16xf32>
        %mul3A_278 = arith.mulf %get3A_275, %mul3A_277 : vector<16xf32>
        %swap3A_279 = arith.constant 0 : i32
        %swap3A_280 = arith.index_cast %swap3A_279 : i32 to index
        %swap3A_281 = arith.index_cast %scan3A_221 : i32 to index
        %swap3A_282 = arith.constant 48 : index
        %swap3A_283 = tpu.vector_load %arg6[%swap3A_280, %swap3A_281, %swap3A_282] {strides = array<i32>} : memref<2x128x64xf32, #tpu.memory_space<vmem>>, vector<1x1x16xf32>,
        %swap3A_284 = vector.shape_cast %swap3A_283 : vector<1x1x16xf32> to vector<16xf32>
        %swap3A_285 = vector.shape_cast %mul3A_278 : vector<16xf32> to vector<1x1x16xf32>
        tpu.vector_store %arg6[%swap3A_280, %swap3A_281, %swap3A_282], %swap3A_285 {strides = array<i32>} : memref<2x128x64xf32, #tpu.memory_space<vmem>>, vector<1x1x16xf32>,
        %scan3A_286 = arith.constant 3 : i32
        %scan3A_287 = arith.addi %scan3A_91, %scan3A_286 : i32
        %get3A_288 = arith.constant 0 : i32
        %get3A_289 = arith.index_cast %get3A_288 : i32 to index
        %get3A_290 = arith.index_cast %scan3A_287 : i32 to index
        %get3A_291 = arith.constant 0 : index
        %get3A_292 = tpu.vector_load %arg6[%get3A_289, %get3A_290, %get3A_291] {strides = array<i32>} : memref<2x128x64xf32, #tpu.memory_space<vmem>>, vector<1x1x16xf32>,
        %get3A_293 = vector.shape_cast %get3A_292 : vector<1x1x16xf32> to vector<16xf32>
        %mul3A_294 = arith.constant 8.000000e+00 : f32
        %mul3A_295 = vector.broadcast %mul3A_294 : f32 to vector<16xf32>
        %mul3A_296 = arith.mulf %get3A_293, %mul3A_295 : vector<16xf32>
        %swap3A_297 = arith.constant 0 : i32
        %swap3A_298 = arith.index_cast %swap3A_297 : i32 to index
        %swap3A_299 = arith.index_cast %scan3A_287 : i32 to index
        %swap3A_300 = arith.constant 0 : index
        %swap3A_301 = tpu.vector_load %arg6[%swap3A_298, %swap3A_299, %swap3A_300] {strides = array<i32>} : memref<2x128x64xf32, #tpu.memory_space<vmem>>, vector<1x1x16xf32>,
        %swap3A_302 = vector.shape_cast %swap3A_301 : vector<1x1x16xf32> to vector<16xf32>
        %swap3A_303 = vector.shape_cast %mul3A_296 : vector<16xf32> to vector<1x1x16xf32>
        tpu.vector_store %arg6[%swap3A_298, %swap3A_299, %swap3A_300], %swap3A_303 {strides = array<i32>} : memref<2x128x64xf32, #tpu.memory_space<vmem>>, vector<1x1x16xf32>,
        %get3A_304 = arith.constant 0 : i32
        %get3A_305 = arith.index_cast %get3A_304 : i32 to index
        %get3A_306 = arith.index_cast %scan3A_287 : i32 to index
        %get3A_307 = arith.constant 16 : index
        %get3A_308 = tpu.vector_load %arg6[%get3A_305, %get3A_306, %get3A_307] {strides = array<i32>} : memref<2x128x64xf32, #tpu.memory_space<vmem>>, vector<1x1x16xf32>,
        %get3A_309 = vector.shape_cast %get3A_308 : vector<1x1x16xf32> to vector<16xf32>
        %mul3A_310 = arith.constant 8.000000e+00 : f32
        %mul3A_311 = vector.broadcast %mul3A_310 : f32 to vector<16xf32>
        %mul3A_312 = arith.mulf %get3A_309, %mul3A_311 : vector<16xf32>
        %swap3A_313 = arith.constant 0 : i32
        %swap3A_314 = arith.index_cast %swap3A_313 : i32 to index
        %swap3A_315 = arith.index_cast %scan3A_287 : i32 to index
        %swap3A_316 = arith.constant 16 : index
        %swap3A_317 = tpu.vector_load %arg6[%swap3A_314, %swap3A_315, %swap3A_316] {strides = array<i32>} : memref<2x128x64xf32, #tpu.memory_space<vmem>>, vector<1x1x16xf32>,
        %swap3A_318 = vector.shape_cast %swap3A_317 : vector<1x1x16xf32> to vector<16xf32>
        %swap3A_319 = vector.shape_cast %mul3A_312 : vector<16xf32> to vector<1x1x16xf32>
        tpu.vector_store %arg6[%swap3A_314, %swap3A_315, %swap3A_316], %swap3A_319 {strides = array<i32>} : memref<2x128x64xf32, #tpu.memory_space<vmem>>, vector<1x1x16xf32>,
        %get3A_320 = arith.constant 0 : i32
        %get3A_321 = arith.index_cast %get3A_320 : i32 to index
        %get3A_322 = arith.index_cast %scan3A_287 : i32 to index
        %get3A_323 = arith.constant 32 : index
        %get3A_324 = tpu.vector_load %arg6[%get3A_321, %get3A_322, %get3A_323] {strides = array<i32>} : memref<2x128x64xf32, #tpu.memory_space<vmem>>, vector<1x1x16xf32>,
        %get3A_325 = vector.shape_cast %get3A_324 : vector<1x1x16xf32> to vector<16xf32>
        %mul3A_326 = arith.constant 8.000000e+00 : f32
        %mul3A_327 = vector.broadcast %mul3A_326 : f32 to vector<16xf32>
        %mul3A_328 = arith.mulf %get3A_325, %mul3A_327 : vector<16xf32>
        %swap3A_329 = arith.constant 0 : i32
        %swap3A_330 = arith.index_cast %swap3A_329 : i32 to index
        %swap3A_331 = arith.index_cast %scan3A_287 : i32 to index
        %swap3A_332 = arith.constant 32 : index
        %swap3A_333 = tpu.vector_load %arg6[%swap3A_330, %swap3A_331, %swap3A_332] {strides = array<i32>} : memref<2x128x64xf32, #tpu.memory_space<vmem>>, vector<1x1x16xf32>,
        %swap3A_334 = vector.shape_cast %swap3A_333 : vector<1x1x16xf32> to vector<16xf32>
        %swap3A_335 = vector.shape_cast %mul3A_328 : vector<16xf32> to vector<1x1x16xf32>
        tpu.vector_store %arg6[%swap3A_330, %swap3A_331, %swap3A_332], %swap3A_335 {strides = array<i32>} : memref<2x128x64xf32, #tpu.memory_space<vmem>>, vector<1x1x16xf32>,
        %get3A_336 = arith.constant 0 : i32
        %get3A_337 = arith.index_cast %get3A_336 : i32 to index
        %get3A_338 = arith.index_cast %scan3A_287 : i32 to index
        %get3A_339 = arith.constant 48 : index
        %get3A_340 = tpu.vector_load %arg6[%get3A_337, %get3A_338, %get3A_339] {strides = array<i32>} : memref<2x128x64xf32, #tpu.memory_space<vmem>>, vector<1x1x16xf32>,
        %get3A_341 = vector.shape_cast %get3A_340 : vector<1x1x16xf32> to vector<16xf32>
        %mul3A_342 = arith.constant 8.000000e+00 : f32
        %mul3A_343 = vector.broadcast %mul3A_342 : f32 to vector<16xf32>
        %mul3A_344 = arith.mulf %get3A_341, %mul3A_343 : vector<16xf32>
        %swap3A_345 = arith.constant 0 : i32
        %swap3A_346 = arith.index_cast %swap3A_345 : i32 to index
        %swap3A_347 = arith.index_cast %scan3A_287 : i32 to index
        %swap3A_348 = arith.constant 48 : index
        %swap3A_349 = tpu.vector_load %arg6[%swap3A_346, %swap3A_347, %swap3A_348] {strides = array<i32>} : memref<2x128x64xf32, #tpu.memory_space<vmem>>, vector<1x1x16xf32>,
        %swap3A_350 = vector.shape_cast %swap3A_349 : vector<1x1x16xf32> to vector<16xf32>
        %swap3A_351 = vector.shape_cast %mul3A_344 : vector<16xf32> to vector<1x1x16xf32>
        tpu.vector_store %arg6[%swap3A_346, %swap3A_347, %swap3A_348], %swap3A_351 {strides = array<i32>} : memref<2x128x64xf32, #tpu.memory_space<vmem>>, vector<1x1x16xf32>,
      }
      %scan3A_51 = arith.constant 128 : i32
      %add3A_52 = arith.addi %mul3A_2, %add3A_35 : i32
      %mul3A_53 = arith.constant 128 : i32
      %mul3A_54 = arith.muli %add3A_52, %mul3A_53 : i32
      %run_scoped3A = arith.constant 0 : i32
      "tpu.region"() ({
        %run_scoped3A_91 = tpu.sem_alloc : memref<!tpu.dma_semaphore, #tpu.memory_space<semaphore_mem>>
        %dma_start3A_92 = arith.constant 0 : i32
        %dma_start3A_93 = arith.constant 0 : i32
        %dma_start3A_94 = tpu.memref_slice %arg6[%run_scoped3A, %dma_start3A_92, %dma_start3A_93] : memref<2x128x64xf32, #tpu.memory_space<vmem>> -> memref<1x128x64xf32, #tpu.memory_space<vmem>>
        %dma_start3A_95 = tpu.memref_squeeze %dma_start3A_94 : memref<1x128x64xf32, #tpu.memory_space<vmem>> -> memref<128x64xf32, #tpu.memory_space<vmem>>
        %dma_start3A_96 = arith.constant 0 : i32
        %dma_start3A_97 = tpu.memref_slice %arg4[%mul3A_54, %dma_start3A_96] : memref<819200x64xf32, #tpu.memory_space<hbm>> -> memref<128x64xf32, #tpu.memory_space<hbm>>
        %dma_start3A_98 = arith.constant 0 : i32
        %dma_start3A_99 = tpu.memref_slice %arg4[%mul3A_54, %dma_start3A_98] : memref<819200x64xf32, #tpu.memory_space<hbm>> -> memref<128x64xf32, #tpu.memory_space<hbm>>
        %dma_start3A_100 = arith.constant 0 : i32
        %dma_start3A_101 = arith.constant 0 : i32
        %dma_start3A_102 = tpu.memref_slice %arg6[%run_scoped3A, %dma_start3A_100, %dma_start3A_101] : memref<2x128x64xf32, #tpu.memory_space<vmem>> -> memref<1x128x64xf32, #tpu.memory_space<vmem>>
        %dma_start3A_103 = tpu.memref_squeeze %dma_start3A_102 : memref<1x128x64xf32, #tpu.memory_space<vmem>> -> memref<128x64xf32, #tpu.memory_space<vmem>>
        tpu.enqueue_dma source(%dma_start3A_103 : memref<128x64xf32, #tpu.memory_space<vmem>>) target(%dma_start3A_99 : memref<128x64xf32, #tpu.memory_space<hbm>>) target_semaphore(%run_scoped3A_91 : memref<!tpu.dma_semaphore, #tpu.memory_space<semaphore_mem>>)
        %dma_wait3A_104 = arith.constant 0 : i32
        %dma_wait3A_105 = arith.constant 0 : i32
        %dma_wait3A_106 = tpu.memref_slice %arg6[%run_scoped3A, %dma_wait3A_104, %dma_wait3A_105] : memref<2x128x64xf32, #tpu.memory_space<vmem>> -> memref<1x128x64xf32, #tpu.memory_space<vmem>>
        %dma_wait3A_107 = tpu.memref_squeeze %dma_wait3A_106 : memref<1x128x64xf32, #tpu.memory_space<vmem>> -> memref<128x64xf32, #tpu.memory_space<vmem>>
        %dma_wait3A_108 = arith.constant 0 : i32
        %dma_wait3A_109 = tpu.memref_slice %arg4[%mul3A_54, %dma_wait3A_108] : memref<819200x64xf32, #tpu.memory_space<hbm>> -> memref<128x64xf32, #tpu.memory_space<hbm>>
        %dma_wait3A_110 = arith.constant 0 : i32
        %dma_wait3A_111 = tpu.memref_slice %arg4[%mul3A_54, %dma_wait3A_110] : memref<819200x64xf32, #tpu.memory_space<hbm>> -> memref<128x64xf32, #tpu.memory_space<hbm>>
        %dma_wait3A_112 = arith.constant 0 : i32
        %dma_wait3A_113 = arith.constant 0 : i32
        %dma_wait3A_114 = tpu.memref_slice %arg6[%run_scoped3A, %dma_wait3A_112, %dma_wait3A_113] : memref<2x128x64xf32, #tpu.memory_space<vmem>> -> memref<1x128x64xf32, #tpu.memory_space<vmem>>
        %dma_wait3A_115 = tpu.memref_squeeze %dma_wait3A_114 : memref<1x128x64xf32, #tpu.memory_space<vmem>> -> memref<128x64xf32, #tpu.memory_space<vmem>>
        tpu.wait_dma2 semaphore(%run_scoped3A_91 : memref<!tpu.dma_semaphore, #tpu.memory_space<semaphore_mem>>) src(%dma_wait3A_115 : memref<128x64xf32, #tpu.memory_space<vmem>>) dst(%dma_wait3A_111 : memref<128x64xf32, #tpu.memory_space<hbm>>)
        tpu.yield
      }) : () -> ()
      %add3A_55 = arith.constant 2 : i32
      %add3A_56 = arith.addi %add3A_35, %add3A_55 : i32
      %lt3A = arith.constant 200 : i32
      %lt3A_57 = arith.cmpi slt, %add3A_56, %lt3A : i32
      %convert_element_type3A = arith.extui %lt3A_57 : i1 to i32
      %cond3A = arith.constant 0 : i32
      %cond3A_58 = arith.cmpi ne, %convert_element_type3A, %cond3A : i32
      scf.if %cond3A_58 {
        %add3A_91 = arith.constant 2 : i32
        %add3A_92 = arith.addi %add3A_35, %add3A_91 : i32
        %dma_start3A_93 = arith.constant 0 : i32
        %dma_start3A_94 = arith.constant 0 : i32
        %dma_start3A_95 = arith.constant 0 : i32
        %dma_start3A_96 = tpu.memref_slice %arg6[%dma_start3A_93, %dma_start3A_94, %dma_start3A_95] : memref<2x128x64xf32, #tpu.memory_space<vmem>> -> memref<1x128x64xf32, #tpu.memory_space<vmem>>
        %dma_start3A_97 = tpu.memref_squeeze %dma_start3A_96 : memref<1x128x64xf32, #tpu.memory_space<vmem>> -> memref<128x64xf32, #tpu.memory_space<vmem>>
        %dma_start3A_98 = arith.constant 0 : i32
        %dma_start3A_99 = tpu.memref_slice %arg5[%add3A_92, %dma_start3A_98] : memref<200x128xi32, #tpu.memory_space<vmem>> -> memref<1x128xi32, #tpu.memory_space<vmem>>
        %dma_start3A_100 = tpu.memref_squeeze %dma_start3A_99 : memref<1x128xi32, #tpu.memory_space<vmem>> -> memref<128xi32, #tpu.memory_space<vmem>>
        %dma_start3A_101 = arith.constant 0 : i32
        %dma_start3A_102 = arith.constant 0 : i32
        %dma_start3A_103 = tpu.memref_slice %arg3[%dma_start3A_101, %dma_start3A_102] : memref<1000000x64xf32, #tpu.memory_space<hbm>> -> memref<1000000x64xf32, #tpu.memory_space<hbm>>
        tpu.enqueue_indirect_dma source(%dma_start3A_103 : memref<1000000x64xf32, #tpu.memory_space<hbm>>) target(%dma_start3A_97 : memref<128x64xf32, #tpu.memory_space<vmem>>) offsets(%dma_start3A_100 : memref<128xi32, #tpu.memory_space<vmem>>) semaphore(%arg7 : memref<!tpu.dma_semaphore, #tpu.memory_space<semaphore_mem>>)
      } else {
      }
      %mul3A_59 = arith.constant 2 : i32
      %mul3A_60 = arith.muli %mul3A_59, %scan3A_31 : i32
      %add3A_61 = arith.constant 1 : i32
      %add3A_62 = arith.addi %mul3A_60, %add3A_61 : i32
      %dma_wait3A_63 = arith.constant 1 : i32
      %dma_wait3A_64 = arith.constant 0 : i32
      %dma_wait3A_65 = arith.constant 0 : i32
      %dma_wait3A_66 = tpu.memref_slice %arg6[%dma_wait3A_63, %dma_wait3A_64, %dma_wait3A_65] : memref<2x128x64xf32, #tpu.memory_space<vmem>> -> memref<1x128x64xf32, #tpu.memory_space<vmem>>
      %dma_wait3A_67 = tpu.memref_squeeze %dma_wait3A_66 : memref<1x128x64xf32, #tpu.memory_space<vmem>> -> memref<128x64xf32, #tpu.memory_space<vmem>>
      %dma_wait3A_68 = arith.constant 0 : i32
      %dma_wait3A_69 = tpu.memref_slice %arg5[%add3A_62, %dma_wait3A_68] : memref<200x128xi32, #tpu.memory_space<vmem>> -> memref<1x128xi32, #tpu.memory_space<vmem>>
      %dma_wait3A_70 = tpu.memref_squeeze %dma_wait3A_69 : memref<1x128xi32, #tpu.memory_space<vmem>> -> memref<128xi32, #tpu.memory_space<vmem>>
      %dma_wait3A_71 = arith.constant 0 : i32
      %dma_wait3A_72 = arith.constant 0 : i32
      %dma_wait3A_73 = tpu.memref_slice %arg3[%dma_wait3A_71, %dma_wait3A_72] : memref<1000000x64xf32, #tpu.memory_space<hbm>> -> memref<1000000x64xf32, #tpu.memory_space<hbm>>
      tpu.wait_indirect_dma semaphore(%arg8 : memref<!tpu.dma_semaphore, #tpu.memory_space<semaphore_mem>>) src(%dma_wait3A_73 : memref<1000000x64xf32, #tpu.memory_space<hbm>>) dst(%dma_wait3A_67 : memref<128x64xf32, #tpu.memory_space<vmem>>)
      %scan3A_74 = arith.constant 0 : i32
      %scan3A_75 = arith.constant 0 : i32
      %scan3A_76 = arith.constant 128 : i32
      %scan3A_77 = arith.addi %scan3A_75, %scan3A_76 : i32
      %scan3A_78 = arith.constant 4 : i32
      scf.for %scan3A_91 = %scan3A_75 to %scan3A_77 step %scan3A_78  : i32 {
        %get3A = arith.constant 1 : i32
        %get3A_92 = arith.index_cast %get3A : i32 to index
        %get3A_93 = arith.index_cast %scan3A_91 : i32 to index
        %get3A_94 = arith.constant 0 : index
        %get3A_95 = tpu.vector_load %arg6[%get3A_92, %get3A_93, %get3A_94] {strides = array<i32>} : memref<2x128x64xf32, #tpu.memory_space<vmem>>, vector<1x1x16xf32>,
        %get3A_96 = vector.shape_cast %get3A_95 : vector<1x1x16xf32> to vector<16xf32>
        %mul3A_97 = arith.constant 8.000000e+00 : f32
        %mul3A_98 = vector.broadcast %mul3A_97 : f32 to vector<16xf32>
        %mul3A_99 = arith.mulf %get3A_96, %mul3A_98 : vector<16xf32>
        %swap3A = arith.constant 1 : i32
        %swap3A_100 = arith.index_cast %swap3A : i32 to index
        %swap3A_101 = arith.index_cast %scan3A_91 : i32 to index
        %swap3A_102 = arith.constant 0 : index
        %swap3A_103 = tpu.vector_load %arg6[%swap3A_100, %swap3A_101, %swap3A_102] {strides = array<i32>} : memref<2x128x64xf32, #tpu.memory_space<vmem>>, vector<1x1x16xf32>,
        %swap3A_104 = vector.shape_cast %swap3A_103 : vector<1x1x16xf32> to vector<16xf32>
        %swap3A_105 = vector.shape_cast %mul3A_99 : vector<16xf32> to vector<1x1x16xf32>
        tpu.vector_store %arg6[%swap3A_100, %swap3A_101, %swap3A_102], %swap3A_105 {strides = array<i32>} : memref<2x128x64xf32, #tpu.memory_space<vmem>>, vector<1x1x16xf32>,
        %get3A_106 = arith.constant 1 : i32
        %get3A_107 = arith.index_cast %get3A_106 : i32 to index
        %get3A_108 = arith.index_cast %scan3A_91 : i32 to index
        %get3A_109 = arith.constant 16 : index
        %get3A_110 = tpu.vector_load %arg6[%get3A_107, %get3A_108, %get3A_109] {strides = array<i32>} : memref<2x128x64xf32, #tpu.memory_space<vmem>>, vector<1x1x16xf32>,
        %get3A_111 = vector.shape_cast %get3A_110 : vector<1x1x16xf32> to vector<16xf32>
        %mul3A_112 = arith.constant 8.000000e+00 : f32
        %mul3A_113 = vector.broadcast %mul3A_112 : f32 to vector<16xf32>
        %mul3A_114 = arith.mulf %get3A_111, %mul3A_113 : vector<16xf32>
        %swap3A_115 = arith.constant 1 : i32
        %swap3A_116 = arith.index_cast %swap3A_115 : i32 to index
        %swap3A_117 = arith.index_cast %scan3A_91 : i32 to index
        %swap3A_118 = arith.constant 16 : index
        %swap3A_119 = tpu.vector_load %arg6[%swap3A_116, %swap3A_117, %swap3A_118] {strides = array<i32>} : memref<2x128x64xf32, #tpu.memory_space<vmem>>, vector<1x1x16xf32>,
        %swap3A_120 = vector.shape_cast %swap3A_119 : vector<1x1x16xf32> to vector<16xf32>
        %swap3A_121 = vector.shape_cast %mul3A_114 : vector<16xf32> to vector<1x1x16xf32>
        tpu.vector_store %arg6[%swap3A_116, %swap3A_117, %swap3A_118], %swap3A_121 {strides = array<i32>} : memref<2x128x64xf32, #tpu.memory_space<vmem>>, vector<1x1x16xf32>,
        %get3A_122 = arith.constant 1 : i32
        %get3A_123 = arith.index_cast %get3A_122 : i32 to index
        %get3A_124 = arith.index_cast %scan3A_91 : i32 to index
        %get3A_125 = arith.constant 32 : index
        %get3A_126 = tpu.vector_load %arg6[%get3A_123, %get3A_124, %get3A_125] {strides = array<i32>} : memref<2x128x64xf32, #tpu.memory_space<vmem>>, vector<1x1x16xf32>,
        %get3A_127 = vector.shape_cast %get3A_126 : vector<1x1x16xf32> to vector<16xf32>
        %mul3A_128 = arith.constant 8.000000e+00 : f32
        %mul3A_129 = vector.broadcast %mul3A_128 : f32 to vector<16xf32>
        %mul3A_130 = arith.mulf %get3A_127, %mul3A_129 : vector<16xf32>
        %swap3A_131 = arith.constant 1 : i32
        %swap3A_132 = arith.index_cast %swap3A_131 : i32 to index
        %swap3A_133 = arith.index_cast %scan3A_91 : i32 to index
        %swap3A_134 = arith.constant 32 : index
        %swap3A_135 = tpu.vector_load %arg6[%swap3A_132, %swap3A_133, %swap3A_134] {strides = array<i32>} : memref<2x128x64xf32, #tpu.memory_space<vmem>>, vector<1x1x16xf32>,
        %swap3A_136 = vector.shape_cast %swap3A_135 : vector<1x1x16xf32> to vector<16xf32>
        %swap3A_137 = vector.shape_cast %mul3A_130 : vector<16xf32> to vector<1x1x16xf32>
        tpu.vector_store %arg6[%swap3A_132, %swap3A_133, %swap3A_134], %swap3A_137 {strides = array<i32>} : memref<2x128x64xf32, #tpu.memory_space<vmem>>, vector<1x1x16xf32>,
        %get3A_138 = arith.constant 1 : i32
        %get3A_139 = arith.index_cast %get3A_138 : i32 to index
        %get3A_140 = arith.index_cast %scan3A_91 : i32 to index
        %get3A_141 = arith.constant 48 : index
        %get3A_142 = tpu.vector_load %arg6[%get3A_139, %get3A_140, %get3A_141] {strides = array<i32>} : memref<2x128x64xf32, #tpu.memory_space<vmem>>, vector<1x1x16xf32>,
        %get3A_143 = vector.shape_cast %get3A_142 : vector<1x1x16xf32> to vector<16xf32>
        %mul3A_144 = arith.constant 8.000000e+00 : f32
        %mul3A_145 = vector.broadcast %mul3A_144 : f32 to vector<16xf32>
        %mul3A_146 = arith.mulf %get3A_143, %mul3A_145 : vector<16xf32>
        %swap3A_147 = arith.constant 1 : i32
        %swap3A_148 = arith.index_cast %swap3A_147 : i32 to index
        %swap3A_149 = arith.index_cast %scan3A_91 : i32 to index
        %swap3A_150 = arith.constant 48 : index
        %swap3A_151 = tpu.vector_load %arg6[%swap3A_148, %swap3A_149, %swap3A_150] {strides = array<i32>} : memref<2x128x64xf32, #tpu.memory_space<vmem>>, vector<1x1x16xf32>,
        %swap3A_152 = vector.shape_cast %swap3A_151 : vector<1x1x16xf32> to vector<16xf32>
        %swap3A_153 = vector.shape_cast %mul3A_146 : vector<16xf32> to vector<1x1x16xf32>
        tpu.vector_store %arg6[%swap3A_148, %swap3A_149, %swap3A_150], %swap3A_153 {strides = array<i32>} : memref<2x128x64xf32, #tpu.memory_space<vmem>>, vector<1x1x16xf32>,
        %scan3A_154 = arith.constant 1 : i32
        %scan3A_155 = arith.addi %scan3A_91, %scan3A_154 : i32
        %get3A_156 = arith.constant 1 : i32
        %get3A_157 = arith.index_cast %get3A_156 : i32 to index
        %get3A_158 = arith.index_cast %scan3A_155 : i32 to index
        %get3A_159 = arith.constant 0 : index
        %get3A_160 = tpu.vector_load %arg6[%get3A_157, %get3A_158, %get3A_159] {strides = array<i32>} : memref<2x128x64xf32, #tpu.memory_space<vmem>>, vector<1x1x16xf32>,
        %get3A_161 = vector.shape_cast %get3A_160 : vector<1x1x16xf32> to vector<16xf32>
        %mul3A_162 = arith.constant 8.000000e+00 : f32
        %mul3A_163 = vector.broadcast %mul3A_162 : f32 to vector<16xf32>
        %mul3A_164 = arith.mulf %get3A_161, %mul3A_163 : vector<16xf32>
        %swap3A_165 = arith.constant 1 : i32
        %swap3A_166 = arith.index_cast %swap3A_165 : i32 to index
        %swap3A_167 = arith.index_cast %scan3A_155 : i32 to index
        %swap3A_168 = arith.constant 0 : index
        %swap3A_169 = tpu.vector_load %arg6[%swap3A_166, %swap3A_167, %swap3A_168] {strides = array<i32>} : memref<2x128x64xf32, #tpu.memory_space<vmem>>, vector<1x1x16xf32>,
        %swap3A_170 = vector.shape_cast %swap3A_169 : vector<1x1x16xf32> to vector<16xf32>
        %swap3A_171 = vector.shape_cast %mul3A_164 : vector<16xf32> to vector<1x1x16xf32>
        tpu.vector_store %arg6[%swap3A_166, %swap3A_167, %swap3A_168], %swap3A_171 {strides = array<i32>} : memref<2x128x64xf32, #tpu.memory_space<vmem>>, vector<1x1x16xf32>,
        %get3A_172 = arith.constant 1 : i32
        %get3A_173 = arith.index_cast %get3A_172 : i32 to index
        %get3A_174 = arith.index_cast %scan3A_155 : i32 to index
        %get3A_175 = arith.constant 16 : index
        %get3A_176 = tpu.vector_load %arg6[%get3A_173, %get3A_174, %get3A_175] {strides = array<i32>} : memref<2x128x64xf32, #tpu.memory_space<vmem>>, vector<1x1x16xf32>,
        %get3A_177 = vector.shape_cast %get3A_176 : vector<1x1x16xf32> to vector<16xf32>
        %mul3A_178 = arith.constant 8.000000e+00 : f32
        %mul3A_179 = vector.broadcast %mul3A_178 : f32 to vector<16xf32>
        %mul3A_180 = arith.mulf %get3A_177, %mul3A_179 : vector<16xf32>
        %swap3A_181 = arith.constant 1 : i32
        %swap3A_182 = arith.index_cast %swap3A_181 : i32 to index
        %swap3A_183 = arith.index_cast %scan3A_155 : i32 to index
        %swap3A_184 = arith.constant 16 : index
        %swap3A_185 = tpu.vector_load %arg6[%swap3A_182, %swap3A_183, %swap3A_184] {strides = array<i32>} : memref<2x128x64xf32, #tpu.memory_space<vmem>>, vector<1x1x16xf32>,
        %swap3A_186 = vector.shape_cast %swap3A_185 : vector<1x1x16xf32> to vector<16xf32>
        %swap3A_187 = vector.shape_cast %mul3A_180 : vector<16xf32> to vector<1x1x16xf32>
        tpu.vector_store %arg6[%swap3A_182, %swap3A_183, %swap3A_184], %swap3A_187 {strides = array<i32>} : memref<2x128x64xf32, #tpu.memory_space<vmem>>, vector<1x1x16xf32>,
        %get3A_188 = arith.constant 1 : i32
        %get3A_189 = arith.index_cast %get3A_188 : i32 to index
        %get3A_190 = arith.index_cast %scan3A_155 : i32 to index
        %get3A_191 = arith.constant 32 : index
        %get3A_192 = tpu.vector_load %arg6[%get3A_189, %get3A_190, %get3A_191] {strides = array<i32>} : memref<2x128x64xf32, #tpu.memory_space<vmem>>, vector<1x1x16xf32>,
        %get3A_193 = vector.shape_cast %get3A_192 : vector<1x1x16xf32> to vector<16xf32>
        %mul3A_194 = arith.constant 8.000000e+00 : f32
        %mul3A_195 = vector.broadcast %mul3A_194 : f32 to vector<16xf32>
        %mul3A_196 = arith.mulf %get3A_193, %mul3A_195 : vector<16xf32>
        %swap3A_197 = arith.constant 1 : i32
        %swap3A_198 = arith.index_cast %swap3A_197 : i32 to index
        %swap3A_199 = arith.index_cast %scan3A_155 : i32 to index
        %swap3A_200 = arith.constant 32 : index
        %swap3A_201 = tpu.vector_load %arg6[%swap3A_198, %swap3A_199, %swap3A_200] {strides = array<i32>} : memref<2x128x64xf32, #tpu.memory_space<vmem>>, vector<1x1x16xf32>,
        %swap3A_202 = vector.shape_cast %swap3A_201 : vector<1x1x16xf32> to vector<16xf32>
        %swap3A_203 = vector.shape_cast %mul3A_196 : vector<16xf32> to vector<1x1x16xf32>
        tpu.vector_store %arg6[%swap3A_198, %swap3A_199, %swap3A_200], %swap3A_203 {strides = array<i32>} : memref<2x128x64xf32, #tpu.memory_space<vmem>>, vector<1x1x16xf32>,
        %get3A_204 = arith.constant 1 : i32
        %get3A_205 = arith.index_cast %get3A_204 : i32 to index
        %get3A_206 = arith.index_cast %scan3A_155 : i32 to index
        %get3A_207 = arith.constant 48 : index
        %get3A_208 = tpu.vector_load %arg6[%get3A_205, %get3A_206, %get3A_207] {strides = array<i32>} : memref<2x128x64xf32, #tpu.memory_space<vmem>>, vector<1x1x16xf32>,
        %get3A_209 = vector.shape_cast %get3A_208 : vector<1x1x16xf32> to vector<16xf32>
        %mul3A_210 = arith.constant 8.000000e+00 : f32
        %mul3A_211 = vector.broadcast %mul3A_210 : f32 to vector<16xf32>
        %mul3A_212 = arith.mulf %get3A_209, %mul3A_211 : vector<16xf32>
        %swap3A_213 = arith.constant 1 : i32
        %swap3A_214 = arith.index_cast %swap3A_213 : i32 to index
        %swap3A_215 = arith.index_cast %scan3A_155 : i32 to index
        %swap3A_216 = arith.constant 48 : index
        %swap3A_217 = tpu.vector_load %arg6[%swap3A_214, %swap3A_215, %swap3A_216] {strides = array<i32>} : memref<2x128x64xf32, #tpu.memory_space<vmem>>, vector<1x1x16xf32>,
        %swap3A_218 = vector.shape_cast %swap3A_217 : vector<1x1x16xf32> to vector<16xf32>
        %swap3A_219 = vector.shape_cast %mul3A_212 : vector<16xf32> to vector<1x1x16xf32>
        tpu.vector_store %arg6[%swap3A_214, %swap3A_215, %swap3A_216], %swap3A_219 {strides = array<i32>} : memref<2x128x64xf32, #tpu.memory_space<vmem>>, vector<1x1x16xf32>,
        %scan3A_220 = arith.constant 2 : i32
        %scan3A_221 = arith.addi %scan3A_91, %scan3A_220 : i32
        %get3A_222 = arith.constant 1 : i32
        %get3A_223 = arith.index_cast %get3A_222 : i32 to index
        %get3A_224 = arith.index_cast %scan3A_221 : i32 to index
        %get3A_225 = arith.constant 0 : index
        %get3A_226 = tpu.vector_load %arg6[%get3A_223, %get3A_224, %get3A_225] {strides = array<i32>} : memref<2x128x64xf32, #tpu.memory_space<vmem>>, vector<1x1x16xf32>,
        %get3A_227 = vector.shape_cast %get3A_226 : vector<1x1x16xf32> to vector<16xf32>
        %mul3A_228 = arith.constant 8.000000e+00 : f32
        %mul3A_229 = vector.broadcast %mul3A_228 : f32 to vector<16xf32>
        %mul3A_230 = arith.mulf %get3A_227, %mul3A_229 : vector<16xf32>
        %swap3A_231 = arith.constant 1 : i32
        %swap3A_232 = arith.index_cast %swap3A_231 : i32 to index
        %swap3A_233 = arith.index_cast %scan3A_221 : i32 to index
        %swap3A_234 = arith.constant 0 : index
        %swap3A_235 = tpu.vector_load %arg6[%swap3A_232, %swap3A_233, %swap3A_234] {strides = array<i32>} : memref<2x128x64xf32, #tpu.memory_space<vmem>>, vector<1x1x16xf32>,
        %swap3A_236 = vector.shape_cast %swap3A_235 : vector<1x1x16xf32> to vector<16xf32>
        %swap3A_237 = vector.shape_cast %mul3A_230 : vector<16xf32> to vector<1x1x16xf32>
        tpu.vector_store %arg6[%swap3A_232, %swap3A_233, %swap3A_234], %swap3A_237 {strides = array<i32>} : memref<2x128x64xf32, #tpu.memory_space<vmem>>, vector<1x1x16xf32>,
        %get3A_238 = arith.constant 1 : i32
        %get3A_239 = arith.index_cast %get3A_238 : i32 to index
        %get3A_240 = arith.index_cast %scan3A_221 : i32 to index
        %get3A_241 = arith.constant 16 : index
        %get3A_242 = tpu.vector_load %arg6[%get3A_239, %get3A_240, %get3A_241] {strides = array<i32>} : memref<2x128x64xf32, #tpu.memory_space<vmem>>, vector<1x1x16xf32>,
        %get3A_243 = vector.shape_cast %get3A_242 : vector<1x1x16xf32> to vector<16xf32>
        %mul3A_244 = arith.constant 8.000000e+00 : f32
        %mul3A_245 = vector.broadcast %mul3A_244 : f32 to vector<16xf32>
        %mul3A_246 = arith.mulf %get3A_243, %mul3A_245 : vector<16xf32>
        %swap3A_247 = arith.constant 1 : i32
        %swap3A_248 = arith.index_cast %swap3A_247 : i32 to index
        %swap3A_249 = arith.index_cast %scan3A_221 : i32 to index
        %swap3A_250 = arith.constant 16 : index
        %swap3A_251 = tpu.vector_load %arg6[%swap3A_248, %swap3A_249, %swap3A_250] {strides = array<i32>} : memref<2x128x64xf32, #tpu.memory_space<vmem>>, vector<1x1x16xf32>,
        %swap3A_252 = vector.shape_cast %swap3A_251 : vector<1x1x16xf32> to vector<16xf32>
        %swap3A_253 = vector.shape_cast %mul3A_246 : vector<16xf32> to vector<1x1x16xf32>
        tpu.vector_store %arg6[%swap3A_248, %swap3A_249, %swap3A_250], %swap3A_253 {strides = array<i32>} : memref<2x128x64xf32, #tpu.memory_space<vmem>>, vector<1x1x16xf32>,
        %get3A_254 = arith.constant 1 : i32
        %get3A_255 = arith.index_cast %get3A_254 : i32 to index
        %get3A_256 = arith.index_cast %scan3A_221 : i32 to index
        %get3A_257 = arith.constant 32 : index
        %get3A_258 = tpu.vector_load %arg6[%get3A_255, %get3A_256, %get3A_257] {strides = array<i32>} : memref<2x128x64xf32, #tpu.memory_space<vmem>>, vector<1x1x16xf32>,
        %get3A_259 = vector.shape_cast %get3A_258 : vector<1x1x16xf32> to vector<16xf32>
        %mul3A_260 = arith.constant 8.000000e+00 : f32
        %mul3A_261 = vector.broadcast %mul3A_260 : f32 to vector<16xf32>
        %mul3A_262 = arith.mulf %get3A_259, %mul3A_261 : vector<16xf32>
        %swap3A_263 = arith.constant 1 : i32
        %swap3A_264 = arith.index_cast %swap3A_263 : i32 to index
        %swap3A_265 = arith.index_cast %scan3A_221 : i32 to index
        %swap3A_266 = arith.constant 32 : index
        %swap3A_267 = tpu.vector_load %arg6[%swap3A_264, %swap3A_265, %swap3A_266] {strides = array<i32>} : memref<2x128x64xf32, #tpu.memory_space<vmem>>, vector<1x1x16xf32>,
        %swap3A_268 = vector.shape_cast %swap3A_267 : vector<1x1x16xf32> to vector<16xf32>
        %swap3A_269 = vector.shape_cast %mul3A_262 : vector<16xf32> to vector<1x1x16xf32>
        tpu.vector_store %arg6[%swap3A_264, %swap3A_265, %swap3A_266], %swap3A_269 {strides = array<i32>} : memref<2x128x64xf32, #tpu.memory_space<vmem>>, vector<1x1x16xf32>,
        %get3A_270 = arith.constant 1 : i32
        %get3A_271 = arith.index_cast %get3A_270 : i32 to index
        %get3A_272 = arith.index_cast %scan3A_221 : i32 to index
        %get3A_273 = arith.constant 48 : index
        %get3A_274 = tpu.vector_load %arg6[%get3A_271, %get3A_272, %get3A_273] {strides = array<i32>} : memref<2x128x64xf32, #tpu.memory_space<vmem>>, vector<1x1x16xf32>,
        %get3A_275 = vector.shape_cast %get3A_274 : vector<1x1x16xf32> to vector<16xf32>
        %mul3A_276 = arith.constant 8.000000e+00 : f32
        %mul3A_277 = vector.broadcast %mul3A_276 : f32 to vector<16xf32>
        %mul3A_278 = arith.mulf %get3A_275, %mul3A_277 : vector<16xf32>
        %swap3A_279 = arith.constant 1 : i32
        %swap3A_280 = arith.index_cast %swap3A_279 : i32 to index
        %swap3A_281 = arith.index_cast %scan3A_221 : i32 to index
        %swap3A_282 = arith.constant 48 : index
        %swap3A_283 = tpu.vector_load %arg6[%swap3A_280, %swap3A_281, %swap3A_282] {strides = array<i32>} : memref<2x128x64xf32, #tpu.memory_space<vmem>>, vector<1x1x16xf32>,
        %swap3A_284 = vector.shape_cast %swap3A_283 : vector<1x1x16xf32> to vector<16xf32>
        %swap3A_285 = vector.shape_cast %mul3A_278 : vector<16xf32> to vector<1x1x16xf32>
        tpu.vector_store %arg6[%swap3A_280, %swap3A_281, %swap3A_282], %swap3A_285 {strides = array<i32>} : memref<2x128x64xf32, #tpu.memory_space<vmem>>, vector<1x1x16xf32>,
        %scan3A_286 = arith.constant 3 : i32
        %scan3A_287 = arith.addi %scan3A_91, %scan3A_286 : i32
        %get3A_288 = arith.constant 1 : i32
        %get3A_289 = arith.index_cast %get3A_288 : i32 to index
        %get3A_290 = arith.index_cast %scan3A_287 : i32 to index
        %get3A_291 = arith.constant 0 : index
        %get3A_292 = tpu.vector_load %arg6[%get3A_289, %get3A_290, %get3A_291] {strides = array<i32>} : memref<2x128x64xf32, #tpu.memory_space<vmem>>, vector<1x1x16xf32>,
        %get3A_293 = vector.shape_cast %get3A_292 : vector<1x1x16xf32> to vector<16xf32>
        %mul3A_294 = arith.constant 8.000000e+00 : f32
        %mul3A_295 = vector.broadcast %mul3A_294 : f32 to vector<16xf32>
        %mul3A_296 = arith.mulf %get3A_293, %mul3A_295 : vector<16xf32>
        %swap3A_297 = arith.constant 1 : i32
        %swap3A_298 = arith.index_cast %swap3A_297 : i32 to index
        %swap3A_299 = arith.index_cast %scan3A_287 : i32 to index
        %swap3A_300 = arith.constant 0 : index
        %swap3A_301 = tpu.vector_load %arg6[%swap3A_298, %swap3A_299, %swap3A_300] {strides = array<i32>} : memref<2x128x64xf32, #tpu.memory_space<vmem>>, vector<1x1x16xf32>,
        %swap3A_302 = vector.shape_cast %swap3A_301 : vector<1x1x16xf32> to vector<16xf32>
        %swap3A_303 = vector.shape_cast %mul3A_296 : vector<16xf32> to vector<1x1x16xf32>
        tpu.vector_store %arg6[%swap3A_298, %swap3A_299, %swap3A_300], %swap3A_303 {strides = array<i32>} : memref<2x128x64xf32, #tpu.memory_space<vmem>>, vector<1x1x16xf32>,
        %get3A_304 = arith.constant 1 : i32
        %get3A_305 = arith.index_cast %get3A_304 : i32 to index
        %get3A_306 = arith.index_cast %scan3A_287 : i32 to index
        %get3A_307 = arith.constant 16 : index
        %get3A_308 = tpu.vector_load %arg6[%get3A_305, %get3A_306, %get3A_307] {strides = array<i32>} : memref<2x128x64xf32, #tpu.memory_space<vmem>>, vector<1x1x16xf32>,
        %get3A_309 = vector.shape_cast %get3A_308 : vector<1x1x16xf32> to vector<16xf32>
        %mul3A_310 = arith.constant 8.000000e+00 : f32
        %mul3A_311 = vector.broadcast %mul3A_310 : f32 to vector<16xf32>
        %mul3A_312 = arith.mulf %get3A_309, %mul3A_311 : vector<16xf32>
        %swap3A_313 = arith.constant 1 : i32
        %swap3A_314 = arith.index_cast %swap3A_313 : i32 to index
        %swap3A_315 = arith.index_cast %scan3A_287 : i32 to index
        %swap3A_316 = arith.constant 16 : index
        %swap3A_317 = tpu.vector_load %arg6[%swap3A_314, %swap3A_315, %swap3A_316] {strides = array<i32>} : memref<2x128x64xf32, #tpu.memory_space<vmem>>, vector<1x1x16xf32>,
        %swap3A_318 = vector.shape_cast %swap3A_317 : vector<1x1x16xf32> to vector<16xf32>
        %swap3A_319 = vector.shape_cast %mul3A_312 : vector<16xf32> to vector<1x1x16xf32>
        tpu.vector_store %arg6[%swap3A_314, %swap3A_315, %swap3A_316], %swap3A_319 {strides = array<i32>} : memref<2x128x64xf32, #tpu.memory_space<vmem>>, vector<1x1x16xf32>,
        %get3A_320 = arith.constant 1 : i32
        %get3A_321 = arith.index_cast %get3A_320 : i32 to index
        %get3A_322 = arith.index_cast %scan3A_287 : i32 to index
        %get3A_323 = arith.constant 32 : index
        %get3A_324 = tpu.vector_load %arg6[%get3A_321, %get3A_322, %get3A_323] {strides = array<i32>} : memref<2x128x64xf32, #tpu.memory_space<vmem>>, vector<1x1x16xf32>,
        %get3A_325 = vector.shape_cast %get3A_324 : vector<1x1x16xf32> to vector<16xf32>
        %mul3A_326 = arith.constant 8.000000e+00 : f32
        %mul3A_327 = vector.broadcast %mul3A_326 : f32 to vector<16xf32>
        %mul3A_328 = arith.mulf %get3A_325, %mul3A_327 : vector<16xf32>
        %swap3A_329 = arith.constant 1 : i32
        %swap3A_330 = arith.index_cast %swap3A_329 : i32 to index
        %swap3A_331 = arith.index_cast %scan3A_287 : i32 to index
        %swap3A_332 = arith.constant 32 : index
        %swap3A_333 = tpu.vector_load %arg6[%swap3A_330, %swap3A_331, %swap3A_332] {strides = array<i32>} : memref<2x128x64xf32, #tpu.memory_space<vmem>>, vector<1x1x16xf32>,
        %swap3A_334 = vector.shape_cast %swap3A_333 : vector<1x1x16xf32> to vector<16xf32>
        %swap3A_335 = vector.shape_cast %mul3A_328 : vector<16xf32> to vector<1x1x16xf32>
        tpu.vector_store %arg6[%swap3A_330, %swap3A_331, %swap3A_332], %swap3A_335 {strides = array<i32>} : memref<2x128x64xf32, #tpu.memory_space<vmem>>, vector<1x1x16xf32>,
        %get3A_336 = arith.constant 1 : i32
        %get3A_337 = arith.index_cast %get3A_336 : i32 to index
        %get3A_338 = arith.index_cast %scan3A_287 : i32 to index
        %get3A_339 = arith.constant 48 : index
        %get3A_340 = tpu.vector_load %arg6[%get3A_337, %get3A_338, %get3A_339] {strides = array<i32>} : memref<2x128x64xf32, #tpu.memory_space<vmem>>, vector<1x1x16xf32>,
        %get3A_341 = vector.shape_cast %get3A_340 : vector<1x1x16xf32> to vector<16xf32>
        %mul3A_342 = arith.constant 8.000000e+00 : f32
        %mul3A_343 = vector.broadcast %mul3A_342 : f32 to vector<16xf32>
        %mul3A_344 = arith.mulf %get3A_341, %mul3A_343 : vector<16xf32>
        %swap3A_345 = arith.constant 1 : i32
        %swap3A_346 = arith.index_cast %swap3A_345 : i32 to index
        %swap3A_347 = arith.index_cast %scan3A_287 : i32 to index
        %swap3A_348 = arith.constant 48 : index
        %swap3A_349 = tpu.vector_load %arg6[%swap3A_346, %swap3A_347, %swap3A_348] {strides = array<i32>} : memref<2x128x64xf32, #tpu.memory_space<vmem>>, vector<1x1x16xf32>,
        %swap3A_350 = vector.shape_cast %swap3A_349 : vector<1x1x16xf32> to vector<16xf32>
        %swap3A_351 = vector.shape_cast %mul3A_344 : vector<16xf32> to vector<1x1x16xf32>
        tpu.vector_store %arg6[%swap3A_346, %swap3A_347, %swap3A_348], %swap3A_351 {strides = array<i32>} : memref<2x128x64xf32, #tpu.memory_space<vmem>>, vector<1x1x16xf32>,
      }
      %scan3A_79 = arith.constant 128 : i32
      %add3A_80 = arith.addi %mul3A_2, %add3A_62 : i32
      %mul3A_81 = arith.constant 128 : i32
      %mul3A_82 = arith.muli %add3A_80, %mul3A_81 : i32
      %run_scoped3A_83 = arith.constant 1 : i32
      "tpu.region"() ({
        %run_scoped3A_91 = tpu.sem_alloc : memref<!tpu.dma_semaphore, #tpu.memory_space<semaphore_mem>>
        %dma_start3A_92 = arith.constant 0 : i32
        %dma_start3A_93 = arith.constant 0 : i32
        %dma_start3A_94 = tpu.memref_slice %arg6[%run_scoped3A_83, %dma_start3A_92, %dma_start3A_93] : memref<2x128x64xf32, #tpu.memory_space<vmem>> -> memref<1x128x64xf32, #tpu.memory_space<vmem>>
        %dma_start3A_95 = tpu.memref_squeeze %dma_start3A_94 : memref<1x128x64xf32, #tpu.memory_space<vmem>> -> memref<128x64xf32, #tpu.memory_space<vmem>>
        %dma_start3A_96 = arith.constant 0 : i32
        %dma_start3A_97 = tpu.memref_slice %arg4[%mul3A_82, %dma_start3A_96] : memref<819200x64xf32, #tpu.memory_space<hbm>> -> memref<128x64xf32, #tpu.memory_space<hbm>>
        %dma_start3A_98 = arith.constant 0 : i32
        %dma_start3A_99 = tpu.memref_slice %arg4[%mul3A_82, %dma_start3A_98] : memref<819200x64xf32, #tpu.memory_space<hbm>> -> memref<128x64xf32, #tpu.memory_space<hbm>>
        %dma_start3A_100 = arith.constant 0 : i32
        %dma_start3A_101 = arith.constant 0 : i32
        %dma_start3A_102 = tpu.memref_slice %arg6[%run_scoped3A_83, %dma_start3A_100, %dma_start3A_101] : memref<2x128x64xf32, #tpu.memory_space<vmem>> -> memref<1x128x64xf32, #tpu.memory_space<vmem>>
        %dma_start3A_103 = tpu.memref_squeeze %dma_start3A_102 : memref<1x128x64xf32, #tpu.memory_space<vmem>> -> memref<128x64xf32, #tpu.memory_space<vmem>>
        tpu.enqueue_dma source(%dma_start3A_103 : memref<128x64xf32, #tpu.memory_space<vmem>>) target(%dma_start3A_99 : memref<128x64xf32, #tpu.memory_space<hbm>>) target_semaphore(%run_scoped3A_91 : memref<!tpu.dma_semaphore, #tpu.memory_space<semaphore_mem>>)
        %dma_wait3A_104 = arith.constant 0 : i32
        %dma_wait3A_105 = arith.constant 0 : i32
        %dma_wait3A_106 = tpu.memref_slice %arg6[%run_scoped3A_83, %dma_wait3A_104, %dma_wait3A_105] : memref<2x128x64xf32, #tpu.memory_space<vmem>> -> memref<1x128x64xf32, #tpu.memory_space<vmem>>
        %dma_wait3A_107 = tpu.memref_squeeze %dma_wait3A_106 : memref<1x128x64xf32, #tpu.memory_space<vmem>> -> memref<128x64xf32, #tpu.memory_space<vmem>>
        %dma_wait3A_108 = arith.constant 0 : i32
        %dma_wait3A_109 = tpu.memref_slice %arg4[%mul3A_82, %dma_wait3A_108] : memref<819200x64xf32, #tpu.memory_space<hbm>> -> memref<128x64xf32, #tpu.memory_space<hbm>>
        %dma_wait3A_110 = arith.constant 0 : i32
        %dma_wait3A_111 = tpu.memref_slice %arg4[%mul3A_82, %dma_wait3A_110] : memref<819200x64xf32, #tpu.memory_space<hbm>> -> memref<128x64xf32, #tpu.memory_space<hbm>>
        %dma_wait3A_112 = arith.constant 0 : i32
        %dma_wait3A_113 = arith.constant 0 : i32
        %dma_wait3A_114 = tpu.memref_slice %arg6[%run_scoped3A_83, %dma_wait3A_112, %dma_wait3A_113] : memref<2x128x64xf32, #tpu.memory_space<vmem>> -> memref<1x128x64xf32, #tpu.memory_space<vmem>>
        %dma_wait3A_115 = tpu.memref_squeeze %dma_wait3A_114 : memref<1x128x64xf32, #tpu.memory_space<vmem>> -> memref<128x64xf32, #tpu.memory_space<vmem>>
        tpu.wait_dma2 semaphore(%run_scoped3A_91 : memref<!tpu.dma_semaphore, #tpu.memory_space<semaphore_mem>>) src(%dma_wait3A_115 : memref<128x64xf32, #tpu.memory_space<vmem>>) dst(%dma_wait3A_111 : memref<128x64xf32, #tpu.memory_space<hbm>>)
        tpu.yield
      }) : () -> ()
      %add3A_84 = arith.constant 2 : i32
      %add3A_85 = arith.addi %add3A_62, %add3A_84 : i32
      %lt3A_86 = arith.constant 200 : i32
      %lt3A_87 = arith.cmpi slt, %add3A_85, %lt3A_86 : i32
      %convert_element_type3A_88 = arith.extui %lt3A_87 : i1 to i32
      %cond3A_89 = arith.constant 0 : i32
      %cond3A_90 = arith.cmpi ne, %convert_element_type3A_88, %cond3A_89 : i32
      scf.if %cond3A_90 {
        %add3A_91 = arith.constant 2 : i32
        %add3A_92 = arith.addi %add3A_62, %add3A_91 : i32
        %dma_start3A_93 = arith.constant 1 : i32
        %dma_start3A_94 = arith.constant 0 : i32
        %dma_start3A_95 = arith.constant 0 : i32
        %dma_start3A_96 = tpu.memref_slice %arg6[%dma_start3A_93, %dma_start3A_94, %dma_start3A_95] : memref<2x128x64xf32, #tpu.memory_space<vmem>> -> memref<1x128x64xf32, #tpu.memory_space<vmem>>
        %dma_start3A_97 = tpu.memref_squeeze %dma_start3A_96 : memref<1x128x64xf32, #tpu.memory_space<vmem>> -> memref<128x64xf32, #tpu.memory_space<vmem>>
        %dma_start3A_98 = arith.constant 0 : i32
        %dma_start3A_99 = tpu.memref_slice %arg5[%add3A_92, %dma_start3A_98] : memref<200x128xi32, #tpu.memory_space<vmem>> -> memref<1x128xi32, #tpu.memory_space<vmem>>
        %dma_start3A_100 = tpu.memref_squeeze %dma_start3A_99 : memref<1x128xi32, #tpu.memory_space<vmem>> -> memref<128xi32, #tpu.memory_space<vmem>>
        %dma_start3A_101 = arith.constant 0 : i32
        %dma_start3A_102 = arith.constant 0 : i32
        %dma_start3A_103 = tpu.memref_slice %arg3[%dma_start3A_101, %dma_start3A_102] : memref<1000000x64xf32, #tpu.memory_space<hbm>> -> memref<1000000x64xf32, #tpu.memory_space<hbm>>
        tpu.enqueue_indirect_dma source(%dma_start3A_103 : memref<1000000x64xf32, #tpu.memory_space<hbm>>) target(%dma_start3A_97 : memref<128x64xf32, #tpu.memory_space<vmem>>) offsets(%dma_start3A_100 : memref<128xi32, #tpu.memory_space<vmem>>) semaphore(%arg8 : memref<!tpu.dma_semaphore, #tpu.memory_space<semaphore_mem>>)
      } else {
      }
    }
    %scan3A_30 = arith.constant 100 : i32
    return
  }
}

</mosaic_0001>

<sc_bundles>
// kernel: _embed.3.cloned.1.call-start
scs
__scs_entry_jumppad:
0x0: {  	(pc) =	sbr.rel $0x88, $3  }
0x1: {  	(tag) =	ssettag $0x0;
	lr =	simm.s32 $0x1  }
0x2: {  	[smem:$0x3F9F] =	sst lr;
	_ =	strace $0xD0000000  }
0x3: {  	_ = 	snop  }
0x4: {  	_ = 	snop  }
0x5: {  	_ = 	snop  }
0x6: {  	_ = 	snop  }
0x7: {  	_ = 	snop  }
__scs_overlays_trampoline_lowered:
0x8: {  	[smem:$0x3FAE] =	sst s0  }
0x9: {  	[smem:$0x3FAF] =	sst s1  }
0xa: {  	[smem:$0x3FB0] =	sst s2  }
0xb: {  	[smem:$0x3FB1] =	sst s3  }
0xc: {  	[smem:$0x3FB2] =	sst s4  }
0xd: {  	[smem:$0x3FB3] =	sst s5  }
0xe: {  	[smem:$0x3FB4] =	sst s6  }
0xf: {  	[smem:$0x3FB5] =	sst s7  }
0x10: {  	[smem:$0x3FB6] =	sst s8  }
0x11: {  	[smem:$0x3FB7] =	sst s9;
	s0 =	simm.s32 @!p0 $0x0  }
0x12: {  	s1 =	sld [smem:$0x3F9D];
	s0 =	simm.s32 @p0 $0x1  }
0x13: {  	[smem:$0x3FB8] =	sst s0;
	s0 =	simm.s32 @!p1 $0x0  }
0x14: {  	s2 =	sld [smem:$0x3F9C];
	s0 =	simm.s32 @p1 $0x1  }
0x15: {  	[smem:$0x3FB9] =	sst s0;
	s0 =	simm.s32 @!p2 $0x0  }
0x16: {  	s3 =	sld [smem:$0x3FDB];
	s0 =	simm.s32 @p2 $0x1  }
0x17: {  	s4 =	simm.s32 $0x1BF5;
	[smem:$0x3FBB] =	sst s0  }
0x18: {  	s0 =	sld [smem:$0x3F9E];
	_ =	swait.ge [sflag:s4], $0x0  }
0x19: {  	s7 =	sld [smem:$0x3F9F]  }
0x1a: {  	s8 =	sadd.s32 $0xFFFFE003, lr  }
0x1b: {  	s9 =	sadd.s32 $0xFFFFFEF7, lr;
	s5 =	simm.s32 $0xFFFFFFFF;
	p2 =	slt.u32 s8, $0xFFFFF086  }
0x1c: {  	p1 =	slt.u32 s9, $0xF7A;
	s5 =	simm.s32 @!p2 $0x0  }
0x1d: {  	s5 =	simm.s32 @p1 $0x1;
	p0 =	seq.s32 s7, s2  }
0x1e: {  	s7 =	smul.u32 @!p0 $0xF7A, s2;
	p2 =	seq.s32 @!p0 s5, $0x0  }
0x1f: {  	s9 =	smul.u32 $0xF7A, s1;
	s8 =	simm.s32 @!p0 $0x1BF5;
	p2 =	por !p2, p0  }
0x20: {  	[sflag:s8] =	ssyncset.s32 @!p0 $0xFFFFF086;
	s6 =	sadd.s32 @!p0 s3, s7;
	s7 =	simm.s32 @!p0 $0x108  }
0x21: {  	s3 =	sadd.s32 s3, s9;
	s6 =	sadd.s32 @!p0 $0x88, s6;
	s7 =	simm.s32 @p2 $0x1082  }
0x22: {  	[simem:s7], [sflag:s8] =	dma.local @!p0 [hbm:s6], $0xF7A  }
0x23: {  	s9 =	sor.u32 $0xD0000000, s2;
	s6 =	simm.s32 $0x108;
	_ =	swait.ge @!p0 [sflag:s8], $0x0  }
0x24: {  	s3 =	sadd.s32 $0x88, s3;
	s6 =	simm.s32 @!p1 $0x1082;
	[sflag:s4] =	ssyncset.s32 $0xFFFFF086  }
0x25: {  	[simem:s6], [sflag:s4] =	dma.local [hbm:s3], $0xF7A  }
0x26: {  	[smem:$0x3F9F] =	sst s1;
	(tag) =	ssettag s2;
	_ =	strace s9  }
0x27: {  	s1 =	sld [smem:$0x3FAF]  }
0x28: {  	s2 =	sld [smem:$0x3FB0]  }
0x29: {  	s4 =	sld [smem:$0x3FB2]  }
0x2a: {  	p0 =	seq.s32 s5, $0x0;
	s5 =	sld [smem:$0x3FB3]  }
0x2b: {  	s6 =	sld [smem:$0x3FB4]  }
0x2c: {  	s7 =	sld [smem:$0x3FB5]  }
0x2d: {  	s3 =	simm.s32 $0x108;
	s8 =	sld [smem:$0x3FB6]  }
0x2e: {  	s3 =	simm.s32 @!p0 $0x1082;
	s9 =	sld [smem:$0x3FB7]  }
0x2f: {  	lr =	sadd.s32 s0, s3;
	s0 =	sld [smem:$0x3FAE]  }
0x30: {  	s3 =	sld [smem:$0x3FB1]  }
0x31: {  	[smem:$0x3FBA] =	sst s10  }
0x32: {  	s10 =	sld [smem:$0x3FB8];
	_ =	sdelay $0x3  }
0x33: {  	p0 =	seq.s32 s10, $0x1;
	s10 =	sld [smem:$0x3FBA];
	_ =	sdelay $0x3  }
0x34: {  	[smem:$0x3FBA] =	sst s10  }
0x35: {  	s10 =	sld [smem:$0x3FB9];
	_ =	sdelay $0x3  }
0x36: {  	p1 =	seq.s32 s10, $0x1;
	s10 =	sld [smem:$0x3FBA];
	_ =	sdelay $0x3  }
0x37: {  	[smem:$0x3FBA] =	sst s10  }
0x38: {  	s10 =	sld [smem:$0x3FBB]  }
0x39: {  	_ = 	snop;
	(pc) =	sbr.ind lr, $3  }
0x3a: {  	_ = 	snop  }
0x3b: {  	_ = 	snop  }
0x3c: {  	p2 =	seq.s32 s10, $0x1;
	s10 =	sld [smem:$0x3FBA]  }
0x3d: {  	_ =	shalt  }
0x3e: {  	_ =	shalt  }
0x3f: {  	_ =	shalt  }
0x40: {  	_ =	shalt  }
0x41: {  	_ =	shalt  }
0x42: {  	_ =	shalt  }
0x43: {  	_ =	shalt  }
0x44: {  	_ =	shalt  }
0x45: {  	_ =	shalt  }
0x46: {  	_ =	shalt  }
0x47: {  	_ =	shalt  }
0x48: {  	_ =	shalt  }
0x49: {  	_ =	shalt  }
0x4a: {  	_ =	shalt  }
0x4b: {  	_ =	shalt  }
0x4c: {  	_ =	shalt  }
0x4d: {  	_ =	shalt  }
0x4e: {  	_ =	shalt  }
0x4f: {  	_ =	shalt  }
0x50: {  	_ =	shalt  }
0x51: {  	_ =	shalt  }
0x52: {  	_ =	shalt  }
0x53: {  	_ =	shalt  }
0x54: {  	_ =	shalt  }
0x55: {  	_ =	shalt  }
0x56: {  	_ =	shalt  }
0x57: {  	_ =	shalt  }
0x58: {  	_ =	shalt  }
0x59: {  	_ =	shalt  }
0x5a: {  	_ =	shalt  }
0x5b: {  	_ =	shalt  }
0x5c: {  	_ =	shalt  }
0x5d: {  	_ =	shalt  }
0x5e: {  	_ =	shalt  }
0x5f: {  	_ =	shalt  }
0x60: {  	_ =	shalt  }
0x61: {  	_ =	shalt  }
0x62: {  	_ =	shalt  }
0x63: {  	_ =	shalt  }
0x64: {  	_ =	shalt  }
0x65: {  	_ =	shalt  }
0x66: {  	_ =	shalt  }
0x67: {  	_ =	shalt  }
0x68: {  	_ =	shalt  }
0x69: {  	_ =	shalt  }
0x6a: {  	_ =	shalt  }
0x6b: {  	_ =	shalt  }
0x6c: {  	_ =	shalt  }
0x6d: {  	_ =	shalt  }
0x6e: {  	_ =	shalt  }
0x6f: {  	_ =	shalt  }
0x70: {  	_ =	shalt  }
0x71: {  	_ =	shalt  }
0x72: {  	_ =	shalt  }
0x73: {  	_ =	shalt  }
0x74: {  	_ =	shalt  }
0x75: {  	_ =	shalt  }
0x76: {  	_ =	shalt  }
0x77: {  	_ =	shalt  }
0x78: {  	_ =	shalt  }
0x79: {  	_ =	shalt  }
0x7a: {  	_ =	shalt  }
0x7b: {  	_ =	shalt  }
0x7c: {  	_ =	shalt  }
0x7d: {  	_ =	shalt  }
0x7e: {  	_ =	shalt  }
0x7f: {  	_ =	shalt  }
0x80: {  	_ =	shalt  }
0x81: {  	_ =	shalt  }
0x82: {  	_ =	shalt  }
0x83: {  	_ =	shalt  }
0x84: {  	_ =	shalt  }
0x85: {  	_ =	shalt  }
0x86: {  	_ =	shalt  }
0x87: {  	_ =	shalt  }
.Lfunc_end0:
.L_simem_size_0:
called_computation.1_lowered:
.L_overlay_start_0:
0x88: {  	s2 =	sld [smem:$0x3FD9]  }
0x89: {  	s3 =	sld [smem:$0x3FFE];
	_ =	sdelay $0x1  }
0x8a: {  	s1 =	srdreg.scid  }
0x8b: {  	s0 =	sand.u32 $0x1, s1  }
0x8c: {  	s17 =	sshll.u32 s0, $0xA;
	s2 =	sadd.s32 s3, s2  }
0x8d: {  	s2 =	sadd.s32 s2, s17  }
0x8e: {  	[smem:$0x3FC6] =	sst s2  }
0x8f: {  	_ = 	snop  }
0x90: {  	s2 =	sld [smem:$0x3FC9]  }
0x91: {  	s18 =	sld [smem:$0x3FD0];
	(tm) =	ssettm $0x1  }
0x92: {  	s4 =	sld [smem:$0x3FFB];
	_ =	sdelay $0x3  }
0x93: {  	_ =	strace s4  }
0x94: {  	s4 =	sld [smem:$0x3FFC];
	_ =	sdelay $0x3  }
0x95: {  	_ =	strace s4  }
0x96: {  	s4 =	sld [smem:$0x3FFD];
	_ =	sdelay $0x3  }
0x97: {  	_ =	strace s4  }
0x98: {  	_ =	strace $0x8FFFFFFF  }
0x99: {  	s19 =	sld [smem:$0x3FDB];
	_ =	sdelay $0x1  }
0x9a: {  	s5 =	simm.s32 $_scs_section_size  }
0x9b: {  	s6 =	simm.s32 $_size__tile_overlayer_lowered;
	s7 =	simm.s32 $_tile_overlayer_lowered  }
0x9c: {  	s22 =	simm.s32 $0x1BFF;
	s21 =	sshll.u32 s7, $0x1;
	s4 =	sadd.s32 s5, s19  }
0x9d: {  	s8 =	simm.s32 $0x0;
	s20 =	sshll.u32 s6, $0x1;
	s6 =	sadd.s32 s21, s4  }
0x9e: {  	[timem:s8], [sflag:s22] =	dma.local [hbm:s6], s20  }
0x9f: {  	_ =	swait.ge [sflag:s22], s20  }
0xa0: {  	s5 =	ssub.s32 $0x0, s20;
	[sflag:s22] =	ssyncset.done $0x0  }
0xa1: {  	[sflag:s22] =	ssyncadd.s32 s5;
	_ =	sdelay $0x1  }
0xa2: {  	s23 =	simm.s32 $0x1B8B  }
0xa3: {  	_ =	swait.ge [sflag:s23], $0x1  }
0xa4: {  	[sflag:s23] =	ssyncset.done $0x0  }
0xa5: {  	s25 =	simm.s32 $0x1B8E;
	s24 =	sld [smem:$0x3FFE];
	[sflag:s23] =	ssyncadd.s32 $0xFFFFFFFF  }
0xa6: {  	s26 =	simm.s32 $execute0_lowered;
	[smem:$0x3FD2] =	sst s25  }
0xa7: {  	s6 =	sshll.u32 s26, $0x1;
	_ =	strace $0x80000046;
	[dreg:$0x1] =	wrdreg $0xFFFFFFFF  }
0xa8: {  	s28 =	simm.s32 $_size_execute0_lowered;
	s4 =	sadd.s32 s4, s6;
	[dreg:$0x0] =	wrdreg $0x0  }
0xa9: {  	s6 =	sshll.u32 s28, $0x1;
	[dreg:$0x2] =	wrdreg s4  }
0xaa: {  	[dreg:$0x3] =	wrdreg s6  }
0xab: {  	[dreg:$0x4] =	wrdreg $0xC0  }
0xac: {  	_ =	task [dreg:s8], $0x5FFFF  }
0xad: {  	[dreg:$0x1] =	wrdreg $0xFFFFFFFF  }
0xae: {  	[dreg:$0x0] =	wrdreg $0x60  }
0xaf: {  	[dreg:$0x2] =	wrdreg s2  }
0xb0: {  	[dreg:$0x3] =	wrdreg s24  }
0xb1: {  	[dreg:$0x4] =	wrdreg s18  }
0xb2: {  	[dreg:$0x5] =	wrdreg $0x9  }
0xb3: {  	_ =	task.clear_ibuf [dreg:s8], $0x6FFFF;
	_ =	strace $0x90000046  }
0xb4: {  	s29 =	simm.s32 $0x9;
	_ =	strace $0x80000048  }
0xb5: {  	_ =	swait.ge [sflag:s29], $0x1  }
0xb6: {  	[sflag:s29] =	ssyncadd.s32 $0xFFFFFFFF  }
0xb7: {  	_ =	strace $0x90000048  }
0xb8: {  	_ =	sfence  }
0xb9: {  	s30 =	sld [smem:$0x0];
	_ =	sdelay $0x2  }
0xba: {  	s31 =	sshll.u32 s1, $0xD;
	s1 =	sshrl.u32 s1, $0x2  }
0xbb: {  	s3 =	sand.u32 $0x4000, s31;
	s1 =	sadd.s32 s1, s30  }
0xbc: {  	s0 =	sor.u32 s3, s0;
	s1 =	sshll.u32 s1, $0x11  }
0xbd: {  	s0 =	sor.u32 s1, s0  }
0xbe: {  	s0 =	sadd.s32 $0x8F2B, s0  }
0xbf: {  	[sflag:s0] =	ssyncadd.remote.s32 $0x1  }
0xc0: {  	_ =	sfence.sel $0xFFFF  }
0xc1: {  	[dreg:$0x0] =	wrdreg $0xFFFFFFFF;
	(pc) =	sbr.abs _section_cstart, $3  }
0xc2: {  	[dreg:$0x1] =	wrdreg $0xFFFFFFFF  }
0xc3: {  	_ =	task.clear_ibuf [dreg:s8], $0x2FFFF;
	_ =	strace $0x9FFFFFFF  }
0xc4: {  	(tm) =	ssettm $0x7FFFFFFF  }
0xc5: {  	_ =	shalt  }
tec
execute0_lowered:
.L_overlay_start_1:
0x0: {  	(tag) =	ssettag $0x1  }
0x1: {  	s6 =	rddreg [dreg:$0x0]  }
0x2: {  	s5 =	rddreg [dreg:$0x1];
	s1 =	srdreg.scid  }
0x3: {  	s0 =	stileid.u32;
	s2 =	rddreg [dreg:$0x2]  }
0x4: {  	s3 =	simm.s32 $0x0;
	s11 =	simm.s32 $0x6400;
	s12 =	simm.s32 $0x8400  }
0x5: {  	s13 =	simm.s32 $0x1;
	s14 =	simm.s32 $0x2;
	s15 =	simm.s32 $0x0  }
0x6: {  	s4 =	sand.u32 $0x1, s1;
	s7 =	sshll.u32 s0, $0x1;
	s1 =	rddreg [dreg:$0x3]  }
.Ltmp0:
0x7: {  	[smem:$0x7FF] =	sst s3;
	s7 =	sor.u32 s4, s7;
	(pc) =	sbr.rel .LBB2_1-.Ltmp0, $4  }
0x8: {  	s5 =	sadd.s32 $0xF42C00, s5;
	s8 =	ssub.s32 $0x2, s4;
	s9 =	smul.u32 $0xC80, s7  }
0x9: {  	_ =	strace $0x80000047;
	s10 =	sshrl.u32 s8, $0x1;
	s4 =	smul.u32 $0xC8, s7  }
0xa: {  	s8 =	ssub.s32 s8, s10;
	s10 =	simm.s32 $0x80;
	s6 =	sadd.s32 s6, s9  }
0xb: {  	s7 =	sor.u32 $0x1, s4;
	s8 =	smax.u32 s8, $0x1;
	s9 =	simm.s32 $0x3  }
.LBB2_8:
0xc: {  	s15 =	sadd.s32 $0x1, s15  }
0xd: {  	p0 =	sne.s32 s15, s8  }
.Ltmp1:
0xe: {  	_ = 	snop;
	(pc) =	sbr.rel @!p0 .LBB2_9-.Ltmp1, $1  }
0xf: {  	_ =	sdelay $0x3  }
.LBB2_1:
0x10: {  	[tilespmem:s3], [sflag:$0x3] =	stream.linear.gather [hbm4b:s6+s3], $0x6400, $0x38;
	[tilespmem:$0xA400] =	vst v63  }
0x11: {  	_ =	swait.ge [sflag:s9], $0x6400  }
0x12: {  	[sflag:s9] =	ssyncset.done $0x0  }
0x13: {  	[sflag:s9] =	ssyncadd.s32 $0xFFFF9C00  }
0x14: {  	[tilespmem:s11], [sflag:$0x1] =	stream.indirect.gather [hbm4b:s5+s10], $0x40, s3, s10, $0xb8;
	[tilespmem:$0xA400] =	vst v63  }
0x15: {  	s16 =	simm.s32 $0x0  }
0x16: {  	[tilespmem:s12], [sflag:$0x2] =	stream.indirect.gather [hbm4b:s5+s10], $0x40, s10, s10, $0xb8;
	[tilespmem:$0xA400] =	vst v63  }
.LBB2_2:
0x17: {  	_ =	swait.ge [sflag:s13], $0x2000  }
0x18: {  	[sflag:s13] =	ssyncset.done $0x0  }
0x19: {  	s18 =	simm.s32 $0x6480;
	[sflag:s13] =	ssyncadd.s32 $0xFFFFE000  }
0x1a: {  	v0 =	vld [tilespmem:s18+$0xFFFFFF80]  }
0x1b: {  	v1 =	vld [tilespmem:s18+$0xFFFFFF90]  }
0x1c: {  	v2 =	vld [tilespmem:s18+$0xFFFFFFA0]  }
0x1d: {  	v3 =	vld [tilespmem:s18+$0xFFFFFFB0]  }
0x1e: {  	v4 =	vld [tilespmem:s18+$0xFFFFFFC0]  }
0x1f: {  	v5 =	vld [tilespmem:s18+$0xFFFFFFD0];
	v0 =	vmul.f32 $8.000000000e+00, v0  }
0x20: {  	v6 =	vld [tilespmem:s18+$0xFFFFFFE0];
	v1 =	vmul.f32 $8.000000000e+00, v1  }
0x21: {  	[tilespmem:s18+$0xFFFFFF80] =	vst v0;
	v0 =	vmul.f32 $8.000000000e+00, v2;
	v2 =	vld [tilespmem:s18+$0x0]  }
0x22: {  	[tilespmem:s18+$0xFFFFFF90] =	vst v1;
	v1 =	vmul.f32 $8.000000000e+00, v3;
	v3 =	vld [tilespmem:s18+$0x10]  }
0x23: {  	[tilespmem:s18+$0xFFFFFFA0] =	vst v0;
	v0 =	vmul.f32 $8.000000000e+00, v4;
	v4 =	vld [tilespmem:s18+$0x20]  }
0x24: {  	v7 =	vld [tilespmem:s18+$0x30];
	[tilespmem:s18+$0xFFFFFFB0] =	vst v1;
	v1 =	vmul.f32 $8.000000000e+00, v5  }
0x25: {  	v5 =	vmul.f32 $8.000000000e+00, v6;
	[tilespmem:s18+$0xFFFFFFC0] =	vst v0;
	v0 =	vld [tilespmem:s18+$0x40]  }
0x26: {  	[tilespmem:s18+$0xFFFFFFD0] =	vst v1;
	v1 =	vmul.f32 $8.000000000e+00, v2;
	v2 =	vld [tilespmem:s18+$0x50]  }
0x27: {  	[tilespmem:s18+$0xFFFFFFE0] =	vst v5;
	v6 =	vmul.f32 $8.000000000e+00, v3;
	v3 =	vld [tilespmem:s18+$0x60]  }
0x28: {  	[tilespmem:s18+$0x0] =	vst v1;
	v5 =	vmul.f32 $8.000000000e+00, v4;
	v4 =	vld [tilespmem:s18+$0x70]  }
0x29: {  	s17 =	simm.s32 $0x0;
	s19 =	simm.s32 $0x6580;
	v1 =	vld [tilespmem:s18+$0xFFFFFFF0];
	[tilespmem:s18+$0x10] =	vst v6;
	v6 =	vmul.f32 $8.000000000e+00, v7  }
.LBB2_3:
0x2a: {  	v7 =	vld [tilespmem:s19+$0xFFFFFF80];
	[tilespmem:s18+$0x20] =	vst v5;
	v0 =	vmul.f32 $8.000000000e+00, v0  }
0x2b: {  	v5 =	vld [tilespmem:s19+$0xFFFFFF90];
	[tilespmem:s18+$0x30] =	vst v6;
	v2 =	vmul.f32 $8.000000000e+00, v2  }
0x2c: {  	v6 =	vld [tilespmem:s19+$0xFFFFFFA0];
	[tilespmem:s18+$0x40] =	vst v0;
	v0 =	vmul.f32 $8.000000000e+00, v3  }
0x2d: {  	v3 =	vld [tilespmem:s19+$0xFFFFFFB0];
	[tilespmem:s18+$0x50] =	vst v2;
	v2 =	vmul.f32 $8.000000000e+00, v4  }
0x2e: {  	v4 =	vld [tilespmem:s19+$0xFFFFFFC0];
	v1 =	vmul.f32 $8.000000000e+00, v1;
	[tilespmem:s18+$0x60] =	vst v0  }
0x2f: {  	v0 =	vmul.f32 $8.000000000e+00, v7;
	v7 =	vld [tilespmem:s19+$0xFFFFFFD0];
	[tilespmem:s18+$0x70] =	vst v2  }
0x30: {  	v2 =	vmul.f32 $8.000000000e+00, v5;
	v5 =	vld [tilespmem:s19+$0xFFFFFFE0];
	[tilespmem:s18+$0xFFFFFFF0] =	vst v1;
	s18 =	smov.u32 s19  }
0x31: {  	[tilespmem:s19+$0xFFFFFF80] =	vst v0;
	v0 =	vmul.f32 $8.000000000e+00, v6;
	v1 =	vld [tilespmem:s19+$0x0]  }
0x32: {  	[tilespmem:s19+$0xFFFFFF90] =	vst v2;
	v2 =	vmul.f32 $8.000000000e+00, v3;
	v3 =	vld [tilespmem:s19+$0x10]  }
0x33: {  	s17 =	sadd.s32 $0x4, s17;
	[tilespmem:s19+$0xFFFFFFA0] =	vst v0;
	v0 =	vmul.f32 $8.000000000e+00, v4;
	v4 =	vld [tilespmem:s19+$0x20]  }
0x34: {  	p0 =	slt.u32 s17, $0x7C;
	[tilespmem:s19+$0xFFFFFFB0] =	vst v2;
	v2 =	vmul.f32 $8.000000000e+00, v7;
	v6 =	vld [tilespmem:s19+$0x30]  }
.Ltmp2:
0x35: {  	[tilespmem:s19+$0xFFFFFFC0] =	vst v0;
	v5 =	vmul.f32 $8.000000000e+00, v5;
	v0 =	vld [tilespmem:s19+$0x40];
	(pc) =	sbr.rel @p0 .LBB2_3-.Ltmp2, $4  }
0x36: {  	[tilespmem:s19+$0xFFFFFFD0] =	vst v2;
	v1 =	vmul.f32 $8.000000000e+00, v1;
	v2 =	vld [tilespmem:s19+$0x50]  }
0x37: {  	[tilespmem:s19+$0xFFFFFFE0] =	vst v5;
	v7 =	vmul.f32 $8.000000000e+00, v3;
	v3 =	vld [tilespmem:s19+$0x60]  }
0x38: {  	[tilespmem:s19+$0x0] =	vst v1;
	v5 =	vmul.f32 $8.000000000e+00, v4;
	v4 =	vld [tilespmem:s19+$0x70]  }
0x39: {  	s19 =	sadd.s32 $0x100, s19;
	v1 =	vld [tilespmem:s18+$0xFFFFFFF0];
	[tilespmem:s18+$0x10] =	vst v7;
	v6 =	vmul.f32 $8.000000000e+00, v6  }
0x3a: {  	[tilespmem:s18+$0x20] =	vst v5;
	v0 =	vmul.f32 $8.000000000e+00, v0  }
0x3b: {  	[tilespmem:s18+$0x30] =	vst v6;
	v2 =	vmul.f32 $8.000000000e+00, v2  }
0x3c: {  	[tilespmem:s18+$0x40] =	vst v0;
	v0 =	vmul.f32 $8.000000000e+00, v3  }
0x3d: {  	s17 =	sshll.u32 s16, $0x1;
	[tilespmem:s18+$0x50] =	vst v2;
	v2 =	vmul.f32 $8.000000000e+00, v4  }
0x3e: {  	s19 =	sadd.s32 s4, s17;
	v1 =	vmul.f32 $8.000000000e+00, v1;
	[tilespmem:s18+$0x60] =	vst v0  }
0x3f: {  	s19 =	sshll.u32 s19, $0xA;
	[tilespmem:s18+$0x70] =	vst v2  }
0x40: {  	p0 =	seq.s32 s16, $0x63;
	s31 =	sadd.s32 s2, s19;
	[tilespmem:s18+$0xFFFFFFF0] =	vst v1  }
0x41: {  	[hbm4b:s31+s3] =	stream.linear.scatter [tilespmem:s11], [sflag:$0x3], $0x2000, $0x38;
	[tilespmem:$0xA400] =	vst v63  }
0x42: {  	s18 =	sshll.u32 @!p0 s16, $0x8;
	_ =	swait.ge [sflag:s9], $0x2000  }
0x43: {  	s20 =	simm.s32 @!p0 $0x6400;
	s18 =	sand.u32 @!p0 $0x3FFFFF00, s18;
	[sflag:s9] =	ssyncset.done $0x0  }
0x44: {  	s19 =	simm.s32 @!p0 $0x80;
	s18 =	sadd.s32 @!p0 $0x100, s18;
	[sflag:s9] =	ssyncadd.s32 $0xFFFFE000  }
0x45: {  	[tilespmem:s20], [sflag:$0x1] =	stream.indirect.gather @!p0 [hbm4b:s5+s19], $0x40, s18, s19, $0xb8;
	[tilespmem:$0xA400] =	vst v63  }
0x46: {  	_ =	swait.ge [sflag:s14], $0x2000  }
0x47: {  	[sflag:s14] =	ssyncset.done $0x0  }
0x48: {  	s18 =	simm.s32 $0x84F0;
	[sflag:s14] =	ssyncadd.s32 $0xFFFFE000  }
0x49: {  	v0 =	vld [tilespmem:s18+$0xFFFFFF10]  }
0x4a: {  	v1 =	vld [tilespmem:s18+$0xFFFFFF20]  }
0x4b: {  	v2 =	vld [tilespmem:s18+$0xFFFFFF30]  }
0x4c: {  	v3 =	vld [tilespmem:s18+$0xFFFFFF40]  }
0x4d: {  	v4 =	vld [tilespmem:s18+$0xFFFFFF50]  }
0x4e: {  	v5 =	vld [tilespmem:s18+$0xFFFFFF60];
	v0 =	vmul.f32 $8.000000000e+00, v0  }
0x4f: {  	v6 =	vld [tilespmem:s18+$0xFFFFFF70];
	v1 =	vmul.f32 $8.000000000e+00, v1  }
0x50: {  	[tilespmem:s18+$0xFFFFFF10] =	vst v0;
	v0 =	vmul.f32 $8.000000000e+00, v2;
	v2 =	vld [tilespmem:s18+$0xFFFFFF80]  }
0x51: {  	[tilespmem:s18+$0xFFFFFF20] =	vst v1;
	v1 =	vmul.f32 $8.000000000e+00, v3;
	v3 =	vld [tilespmem:s18+$0xFFFFFF90]  }
0x52: {  	[tilespmem:s18+$0xFFFFFF30] =	vst v0;
	v0 =	vmul.f32 $8.000000000e+00, v4;
	v4 =	vld [tilespmem:s18+$0xFFFFFFA0]  }
0x53: {  	v7 =	vld [tilespmem:s18+$0xFFFFFFB0];
	[tilespmem:s18+$0xFFFFFF40] =	vst v1;
	v1 =	vmul.f32 $8.000000000e+00, v5  }
0x54: {  	v5 =	vmul.f32 $8.000000000e+00, v6;
	[tilespmem:s18+$0xFFFFFF50] =	vst v0;
	v0 =	vld [tilespmem:s18+$0xFFFFFFC0]  }
0x55: {  	[tilespmem:s18+$0xFFFFFF60] =	vst v1;
	v1 =	vld [tilespmem:s18+$0xFFFFFFD0];
	v6 =	vmul.f32 $8.000000000e+00, v2  }
0x56: {  	[tilespmem:s18+$0xFFFFFF70] =	vst v5;
	v8 =	vmul.f32 $8.000000000e+00, v3;
	v2 =	vld [tilespmem:s18+$0xFFFFFFE0]  }
0x57: {  	v3 =	vld [tilespmem:s18+$0x0];
	[tilespmem:s18+$0xFFFFFF80] =	vst v6;
	v5 =	vmul.f32 $8.000000000e+00, v4  }
0x58: {  	s19 =	simm.s32 $0x0;
	s20 =	simm.s32 $0x85F0;
	[tilespmem:s18+$0xFFFFFF90] =	vst v8;
	v6 =	vmul.f32 $8.000000000e+00, v7;
	v4 =	vld [tilespmem:s18+$0xFFFFFFF0]  }
.LBB2_5:
0x59: {  	v7 =	vld [tilespmem:s20+$0xFFFFFF10];
	[tilespmem:s18+$0xFFFFFFA0] =	vst v5;
	v0 =	vmul.f32 $8.000000000e+00, v0  }
0x5a: {  	v5 =	vld [tilespmem:s20+$0xFFFFFF20];
	[tilespmem:s18+$0xFFFFFFB0] =	vst v6;
	v1 =	vmul.f32 $8.000000000e+00, v1  }
0x5b: {  	v6 =	vld [tilespmem:s20+$0xFFFFFF30];
	[tilespmem:s18+$0xFFFFFFC0] =	vst v0;
	v0 =	vmul.f32 $8.000000000e+00, v2  }
0x5c: {  	v2 =	vld [tilespmem:s20+$0xFFFFFF40];
	[tilespmem:s18+$0xFFFFFFD0] =	vst v1;
	v1 =	vmul.f32 $8.000000000e+00, v3  }
0x5d: {  	v3 =	vld [tilespmem:s20+$0xFFFFFF50];
	[tilespmem:s18+$0xFFFFFFE0] =	vst v0;
	v0 =	vmul.f32 $8.000000000e+00, v4  }
0x5e: {  	v4 =	vmul.f32 $8.000000000e+00, v7;
	v7 =	vld [tilespmem:s20+$0xFFFFFF60];
	[tilespmem:s18+$0x0] =	vst v1  }
0x5f: {  	v1 =	vmul.f32 $8.000000000e+00, v5;
	v5 =	vld [tilespmem:s20+$0xFFFFFF70];
	[tilespmem:s18+$0xFFFFFFF0] =	vst v0;
	s18 =	smov.u32 s20  }
0x60: {  	[tilespmem:s20+$0xFFFFFF10] =	vst v4;
	v0 =	vmul.f32 $8.000000000e+00, v6;
	v4 =	vld [tilespmem:s20+$0xFFFFFF80]  }
0x61: {  	[tilespmem:s20+$0xFFFFFF20] =	vst v1;
	v1 =	vmul.f32 $8.000000000e+00, v2;
	v2 =	vld [tilespmem:s20+$0xFFFFFF90]  }
0x62: {  	s19 =	sadd.s32 $0x4, s19;
	[tilespmem:s20+$0xFFFFFF30] =	vst v0;
	v0 =	vmul.f32 $8.000000000e+00, v3;
	v3 =	vld [tilespmem:s20+$0xFFFFFFA0]  }
0x63: {  	p1 =	slt.u32 s19, $0x7C;
	[tilespmem:s20+$0xFFFFFF40] =	vst v1;
	v1 =	vmul.f32 $8.000000000e+00, v7;
	v6 =	vld [tilespmem:s20+$0xFFFFFFB0]  }
.Ltmp3:
0x64: {  	[tilespmem:s20+$0xFFFFFF50] =	vst v0;
	v5 =	vmul.f32 $8.000000000e+00, v5;
	v0 =	vld [tilespmem:s20+$0xFFFFFFC0];
	(pc) =	sbr.rel @p1 .LBB2_5-.Ltmp3, $4  }
0x65: {  	[tilespmem:s20+$0xFFFFFF60] =	vst v1;
	v4 =	vmul.f32 $8.000000000e+00, v4;
	v1 =	vld [tilespmem:s20+$0xFFFFFFD0]  }
0x66: {  	[tilespmem:s20+$0xFFFFFF70] =	vst v5;
	v7 =	vmul.f32 $8.000000000e+00, v2;
	v2 =	vld [tilespmem:s20+$0xFFFFFFE0]  }
0x67: {  	[tilespmem:s20+$0xFFFFFF80] =	vst v4;
	v5 =	vmul.f32 $8.000000000e+00, v3;
	v3 =	vld [tilespmem:s20+$0x0]  }
0x68: {  	s20 =	sadd.s32 $0x100, s20;
	[tilespmem:s18+$0xFFFFFF90] =	vst v7;
	v6 =	vmul.f32 $8.000000000e+00, v6;
	v4 =	vld [tilespmem:s18+$0xFFFFFFF0]  }
0x69: {  	[tilespmem:s18+$0xFFFFFFA0] =	vst v5;
	v0 =	vmul.f32 $8.000000000e+00, v0  }
0x6a: {  	[tilespmem:s18+$0xFFFFFFB0] =	vst v6;
	v1 =	vmul.f32 $8.000000000e+00, v1  }
0x6b: {  	[tilespmem:s18+$0xFFFFFFC0] =	vst v0;
	v61 =	vmul.f32 $8.000000000e+00, v2  }
0x6c: {  	s17 =	sadd.s32 s17, s7;
	[tilespmem:s18+$0xFFFFFFD0] =	vst v1;
	v62 =	vmul.f32 $8.000000000e+00, v3  }
0x6d: {  	s17 =	sshll.u32 s17, $0xA;
	[tilespmem:s18+$0xFFFFFFE0] =	vst v61;
	v63 =	vmul.f32 $8.000000000e+00, v4  }
0x6e: {  	s17 =	sand.u32 $0x1FFFFC00, s17;
	[tilespmem:s18+$0x0] =	vst v62  }
.Ltmp4:
0x6f: {  	s17 =	sadd.s32 s2, s17;
	[tilespmem:s18+$0xFFFFFFF0] =	vst v63;
	(pc) =	sbr.rel @p0 .LBB2_8-.Ltmp4, $4  }
0x70: {  	[hbm4b:s17+s3] =	stream.linear.scatter [tilespmem:s12], [sflag:$0x3], $0x2000, $0x38;
	[tilespmem:$0xA400] =	vst v63  }
0x71: {  	_ =	swait.ge [sflag:s9], $0x2000  }
0x72: {  	[sflag:s9] =	ssyncset.done $0x0  }
0x73: {  	[sflag:s9] =	ssyncadd.s32 $0xFFFFE000  }
.Ltmp5:
0x74: {  	(pc) =	sbr.rel .LBB2_2-.Ltmp5, $4  }
0x75: {  	s17 =	sshll.u32 s16, $0x8  }
0x76: {  	s17 =	sand.u32 $0x3FFFFF00, s17  }
0x77: {  	s16 =	sadd.s32 $0x1, s16;
	s17 =	sadd.s32 $0x180, s17  }
0x78: {  	[tilespmem:s12], [sflag:$0x2] =	stream.indirect.gather [hbm4b:s5+s10], $0x40, s17, s10, $0xb8;
	[tilespmem:$0xA400] =	vst v63  }
.LBB2_9:
0x79: {  	_ =	sfence.sel $0x180000  }
0x7a: {  	[bflag:$0x0] =	sbarrier.arrive $0xFFFF  }
0x7b: {  	p0 =	sne.s32 s0, $0x0;
	_ =	strace $0x90000047  }
0x7c: {  	s0 =	sadd.s32 @!p0 $0x100000, s1;
	[bflag:$0x2] =	sbarrier.arrive $0xFFFF  }
0x7d: {  	[sflag:s0] =	ssyncadd.tile.s32 @!p0 $0x1;
	_ =	shalt  }
.Lfunc_end2:
_tile_overlayer_lowered:
.L_overlay_start_2:
0x7e: {  	(tag) =	ssettag $0x2  }
0x7f: {  	s0 =	rddreg [dreg:$0x0];
	s2 =	stileid.u32  }
0x80: {  	s1 =	rddreg [dreg:$0x1];
	p0 =	sne.s32 s2, $0x0  }
0x81: {  	s3 =	rddreg [dreg:$0x2];
	[bflag:$0x3] =	sbarrier.arrive $0xFFFF;
	s2 =	simm.s32 @!p0 $0x1C03  }
0x82: {  	[timem:s3], [sflag:s2] =	dma.local @!p0 [hbm:s0], s1  }
0x83: {  	s0 =	simm.s32 @!p0 $0x3  }
0x84: {  	_ =	swait.ge @!p0 [sflag:s0], s1  }
0x85: {  	s1 =	ssub.s32 @!p0 $0x0, s1;
	[sflag:s0] =	ssyncset.done @!p0 $0x0  }
0x86: {  	[sflag:s0] =	ssyncadd.s32 @!p0 s1  }
0x87: {  	[bflag:$0x3] =	sbarrier.arrive $0xFFFF  }
0x88: {  	_ =	shalt  }

// kernel: sparse-core-data-format-call.cloned.1.call-start
scs
called_computation_lowered:
.L_overlay_start_0:
0x0: {  	s2 =	sld [smem:$0x3FD9]  }
0x1: {  	s3 =	sld [smem:$0x3FFE];
	_ =	sdelay $0x1  }
0x2: {  	s1 =	srdreg.scid  }
0x3: {  	s0 =	sand.u32 $0x1, s1  }
0x4: {  	s18 =	sshll.u32 s0, $0xA;
	s2 =	sadd.s32 s3, s2  }
0x5: {  	s2 =	sadd.s32 s2, s18  }
0x6: {  	[smem:$0x3FC6] =	sst s2  }
0x7: {  	_ = 	snop  }
0x8: {  	s2 =	sld [smem:$0x3FD0];
	(tm) =	ssettm $0x1  }
0x9: {  	s19 =	sld [smem:$0x3FFB];
	_ =	sdelay $0x3  }
0xa: {  	_ =	strace s19  }
0xb: {  	s3 =	sld [smem:$0x3FFC];
	_ =	sdelay $0x3  }
0xc: {  	_ =	strace s3  }
0xd: {  	s3 =	sld [smem:$0x3FFD];
	_ =	sdelay $0x3  }
0xe: {  	_ =	strace s3  }
0xf: {  	_ =	strace $0x8FFFFFFF  }
0x10: {  	s20 =	sld [smem:$0x3FDB];
	_ =	sdelay $0x1  }
0x11: {  	s4 =	simm.s32 $_scs_section_size  }
0x12: {  	s5 =	simm.s32 $_size__tile_overlayer_lowered;
	s6 =	simm.s32 $_tile_overlayer_lowered  }
0x13: {  	s23 =	simm.s32 $0x1BFF;
	s22 =	sshll.u32 s6, $0x1;
	s3 =	sadd.s32 s4, s20  }
0x14: {  	s7 =	simm.s32 $0x0;
	s21 =	sshll.u32 s5, $0x1;
	s5 =	sadd.s32 s22, s3  }
0x15: {  	[timem:s7], [sflag:s23] =	dma.local [hbm:s5], s21  }
0x16: {  	_ =	swait.ge [sflag:s23], s21  }
0x17: {  	s4 =	ssub.s32 $0x0, s21;
	[sflag:s23] =	ssyncset.done $0x0  }
0x18: {  	[sflag:s23] =	ssyncadd.s32 s4;
	_ =	sdelay $0x1  }
0x19: {  	s24 =	simm.s32 $0x1B8B  }
0x1a: {  	_ =	swait.ge [sflag:s24], $0x1  }
0x1b: {  	[sflag:s24] =	ssyncset.done $0x0  }
0x1c: {  	s26 =	simm.s32 $0x1B8E;
	s25 =	sld [smem:$0x3FFE];
	[sflag:s24] =	ssyncadd.s32 $0xFFFFFFFF  }
0x1d: {  	s27 =	simm.s32 $execute0_lowered;
	[smem:$0x3FD2] =	sst s26  }
0x1e: {  	s5 =	sshll.u32 s27, $0x1;
	_ =	strace $0x80000049;
	[dreg:$0x1] =	wrdreg $0xFFFFFFFF  }
0x1f: {  	s28 =	simm.s32 $_size_execute0_lowered;
	s3 =	sadd.s32 s3, s5;
	[dreg:$0x0] =	wrdreg $0x0  }
0x20: {  	s5 =	sshll.u32 s28, $0x1;
	[dreg:$0x2] =	wrdreg s3  }
0x21: {  	[dreg:$0x3] =	wrdreg s5  }
0x22: {  	[dreg:$0x4] =	wrdreg $0xC0  }
0x23: {  	_ =	task [dreg:s7], $0x5FFFF  }
0x24: {  	[dreg:$0x1] =	wrdreg $0xFFFFFFFF  }
0x25: {  	[dreg:$0x0] =	wrdreg $0x60  }
0x26: {  	[dreg:$0x2] =	wrdreg s25  }
0x27: {  	[dreg:$0x3] =	wrdreg s2  }
0x28: {  	[dreg:$0x4] =	wrdreg $0x9  }
0x29: {  	_ =	task.clear_ibuf [dreg:s7], $0x5FFFF;
	_ =	strace $0x90000049  }
0x2a: {  	s29 =	simm.s32 $0x9;
	_ =	strace $0x8000004B  }
0x2b: {  	_ =	swait.ge [sflag:s29], $0x1  }
0x2c: {  	[sflag:s29] =	ssyncadd.s32 $0xFFFFFFFF  }
0x2d: {  	_ =	strace $0x9000004B  }
0x2e: {  	_ =	sfence  }
0x2f: {  	s30 =	sld [smem:$0x0];
	_ =	sdelay $0x2  }
0x30: {  	s31 =	sshll.u32 s1, $0xD;
	s1 =	sshrl.u32 s1, $0x2  }
0x31: {  	s3 =	sand.u32 $0x4000, s31;
	s1 =	sadd.s32 s1, s30  }
0x32: {  	s0 =	sor.u32 s3, s0;
	s1 =	sshll.u32 s1, $0x11  }
0x33: {  	s0 =	sor.u32 s1, s0  }
0x34: {  	s0 =	sadd.s32 $0x8F2B, s0  }
0x35: {  	[sflag:s0] =	ssyncadd.remote.s32 $0x1  }
0x36: {  	_ =	sfence.sel $0xFFFF  }
0x37: {  	[dreg:$0x0] =	wrdreg $0xFFFFFFFF;
	(pc) =	sbr.abs _section_cstart, $3  }
0x38: {  	[dreg:$0x1] =	wrdreg $0xFFFFFFFF  }
0x39: {  	_ =	task.clear_ibuf [dreg:s7], $0x2FFFF;
	_ =	strace $0x9FFFFFFF  }
0x3a: {  	(tm) =	ssettm $0x7FFFFFFF  }
0x3b: {  	_ =	shalt  }
tec
execute0_lowered:
.L_overlay_start_1:
0x0: {  	(tag) =	ssettag $0x1  }
0x1: {  	s0 =	srdreg.scid  }
0x2: {  	s1 =	sshll.u32 s0, $0x4  }
0x3: {  	s4 =	rddreg [dreg:$0x0];
	s0 =	stileid.u32;
	s1 =	sand.u32 $0x10, s1  }
0x4: {  	s2 =	rddreg [dreg:$0x1];
	s7 =	simm.s32 $0x1;
	s1 =	sor.u32 s0, s1  }
0x5: {  	s8 =	simm.s32 $0x2;
	s11 =	simm.s32 $0x0;
	s3 =	sshll.u32 s1, $0x7  }
0x6: {  	s10 =	simm.s32 $0x0;
	s4 =	sadd.s32 $0x800, s4;
	s6 =	ssub.s32 $0xC8000, s3  }
.Ltmp0:
0x7: {  	s1 =	rddreg [dreg:$0x2];
	s5 =	sand.u32 $0xF80, s6;
	(pc) =	sbr.rel .LBB1_1-.Ltmp0, $4  }
0x8: {  	_ =	strace $0x8000004A;
	s9 =	smov.u32 s3;
	p0 =	sne.s32 s5, $0x0  }
0x9: {  	s6 =	sshrl.u32 s6, $0xC;
	s5 =	simm.s32 $0x1;
	s7 =	simm.s32 @!p0 $0x0  }
0xa: {  	[sflag:s5] =	ssyncpa.u1 $0x0;
	p0 =	por $0x0, $0x0;
	s6 =	sadd.s32 s7, s6  }
0xb: {  	[sflag:s8] =	ssyncpa.u1 $0x0;
	s8 =	simm.s32 $0x640000;
	s7 =	sadd.s32 $0x1, s6  }
.LBB1_4:
0xc: {  	s14 =	sshll.u32 s11, $0x3  }
0xd: {  	s30 =	sand.u32 $0x7F, s11;
	s15 =	sand.u32 $0xFFFFFC00, s14  }
0xe: {  	s11 =	sor.u32 s30, s15  }
0xf: {  	s15 =	smulhi.u32 $0x51EB851F, s11  }
0x10: {  	s14 =	smulhi.u32 $0x51EB851F, s14  }
0x11: {  	s15 =	sshrl.u32 s15, $0x12  }
0x12: {  	s14 =	sshrl.u32 s14, $0x12;
	s15 =	smul.u32 $0xC8000, s15  }
0x13: {  	s14 =	sand.u32 $0x3F, s14  }
0x14: {  	s14 =	smul.u32 $0x19000, s14;
	s11 =	ssub.s32 s11, s15  }
0x15: {  	[tilespmem:s13+$0x810 ss:$0x81] =	vst.msk $0xffff, v2;
	s15 =	sand.u32 $0x7, s11  }
0x16: {  	[tilespmem:s13+$0x1020 ss:$0x81] =	vst.msk $0xffff, v0;
	s14 =	sadd.s32 s2, s14;
	s11 =	sshrl.u32 s11, $0x3;
	s15 =	sshll.u32 s15, $0x12  }
0x17: {  	[tilespmem:s13+$0x0 ss:$0x81] =	vst.msk $0xffff, v1;
	s11 =	sadd.s32 s11, s14;
	s31 =	sor.u32 $0x400, s15  }
0x18: {  	[hbm4b:s11+s31] =	stream.strided.scatter [tilespmem:s12], [sflag:$0x2], $0x2000, s8, s31, $0x20;
	[tilespmem:$0x8080] =	vst v63  }
.LBB1_5:
0x19: {  	s13 =	sadd.s32 $0x1000, s9  }
0x1a: {  	p2 =	sgt.s32 s13, $0xC7FFF  }
0x1b: {  	s13 =	smov.u32 @p2 s3;
	p2 =	sne.s32 s10, s7  }
.Ltmp1:
0x1c: {  	p1 =	slt.u32 s10, $0x2;
	(pc) =	sbr.rel @!p2 .LBB1_6-.Ltmp1, $4  }
0x1d: {  	s12 =	simm.s32 @!p1 $0x2  }
0x1e: {  	s14 =	sadd.s32 $0x1, s10;
	_ =	swait.ge @!p1 [sflag:s12], $0x2000  }
0x1f: {  	s11 =	smov.u32 s9;
	p0 =	por !p0, !p0;
	[sflag:s12] =	ssyncset.done @!p1 $0x0  }
0x20: {  	s10 =	smov.u32 s14;
	s9 =	smov.u32 s13;
	[sflag:s12] =	ssyncadd.s32 @!p1 $0xFFFFE000  }
.LBB1_1:
0x21: {  	p1 =	sge.u32 s10, s6  }
0x22: {  	s12 =	sand.u32 @!p1 $0x1FFFFFF, s9  }
0x23: {  	s13 =	smulhi.u32 @!p1 $0x147AE15, s12;
	_ =	sdelay $0x1  }
0x24: {  	s13 =	sshrl.u32 @!p1 s13, $0xC  }
0x25: {  	s13 =	smul.u32 @!p1 $0xC8000, s13;
	_ =	sdelay $0x1  }
0x26: {  	s31 =	sadd.s32 $0xFFFFFFFF, s10;
	s14 =	sxor.u32 @!p1 $0xFFFFFFFF, s10;
	s12 =	ssub.s32 @!p1 s12, s13  }
0x27: {  	s15 =	simm.s32 @!p1 $0x80;
	s14 =	sshll.u32 @!p1 s14, $0xD;
	s12 =	sshll.u32 @!p1 s12, $0x4  }
0x28: {  	s13 =	sand.u32 @!p1 $0x2000, s14;
	s14 =	simm.s32 @!p1 $0x40;
	s12 =	sadd.s32 @!p1 s4, s12  }
0x29: {  	[tilespmem:s13], [sflag:$0x1] =	stream.strided.gather @!p1 [hbm4b:s12+s14], $0x2000, s15, s14, $0x38;
	[tilespmem:$0x8080] =	vst v63  }
0x2a: {  	p1 =	sge.u32 s31, s6  }
.Ltmp2:
0x2b: {  	_ = 	snop;
	(pc) =	sbr.rel @p1 .LBB1_5-.Ltmp2, $1  }
0x2c: {  	_ =	sdelay $0x3  }
0x2d: {  	s12 =	simm.s32 $0x1  }
0x2e: {  	_ =	swait.ge [sflag:s5], $0x2000;
	s12 =	simm.s32 @!p0 $0x0  }
0x2f: {  	[sflag:s5] =	ssyncset.done $0x0;
	s13 =	sshll.u32 s12, $0xD  }
0x30: {  	[sflag:s5] =	ssyncadd.s32 $0xFFFFE000;
	s16 =	sor.u32 $0x20, s13  }
0x31: {  	s12 =	smul.u32 $0x8100, s12;
	v3 =	vld [tilespmem:s16+$0x10]  }
0x32: {  	s30 =	sand.u32 $0x1, s10;
	v2 =	vld [tilespmem:s16+$0xFFFFFFF0]  }
0x33: {  	s13 =	smul.u32 $0x8100, s30;
	s12 =	sshrl.u32 s12, $0x2;
	v0 =	vld [tilespmem:s16+$0x0]  }
0x34: {  	v1 =	vld [tilespmem:s16+$0xFFFFFFE0];
	s14 =	sor.u32 $0x4000, s12  }
0x35: {  	s31 =	sshrl.u32 s13, $0x2;
	s13 =	sadd.s32 $0x0, s14  }
0x36: {  	s15 =	simm.s32 $0x4;
	s16 =	sadd.s32 $0x40, s16;
	s12 =	sor.u32 $0x4000, s31;
	[tilespmem:s13+$0x1830 ss:$0x81] =	vst.msk $0xffff, v3  }
.LBB1_3:
0x37: {  	v3 =	vld [tilespmem:s16+$0x10];
	p1 =	sne.s32 s15, $0x1FC;
	[tilespmem:s13+$0x810 ss:$0x81] =	vst.msk $0xffff, v2;
	s17 =	smov.u32 s15;
	s15 =	sadd.s32 $0x4, s15  }
.Ltmp3:
0x38: {  	v2 =	vld [tilespmem:s16+$0xFFFFFFF0];
	[tilespmem:s13+$0x1020 ss:$0x81] =	vst.msk $0xffff, v0;
	(pc) =	sbr.rel @p1 .LBB1_3-.Ltmp3, $4  }
0x39: {  	v0 =	vld [tilespmem:s16+$0x0];
	[tilespmem:s13+$0x0 ss:$0x81] =	vst.msk $0xffff, v1  }
0x3a: {  	s13 =	sshra.s32 s17, $0x2;
	v1 =	vld [tilespmem:s16+$0xFFFFFFE0]  }
0x3b: {  	s13 =	sadd.s32 s13, s14  }
0x3c: {  	s16 =	sadd.s32 $0x40, s16;
	[tilespmem:s13+$0x1830 ss:$0x81] =	vst.msk $0xffff, v3  }
.Ltmp4:
0x3d: {  	_ = 	snop;
	(pc) =	sbr.rel .LBB1_4-.Ltmp4, $1  }
0x3e: {  	_ =	sdelay $0x3  }
.LBB1_6:
0x3f: {  	_ =	sfence.sel $0x180000  }
0x40: {  	s2 =	simm.s32 $0x1;
	[bflag:$0x0] =	sbarrier.arrive $0xFFFF  }
0x41: {  	s31 =	simm.s32 $0x2;
	[sflag:s2] =	ssyncpa.u1 $0x1  }
0x42: {  	[sflag:s31] =	ssyncpa.u1 $0x1  }
0x43: {  	p0 =	sne.s32 s0, $0x0;
	_ =	strace $0x9000004A  }
0x44: {  	s0 =	sadd.s32 @!p0 $0x100000, s1;
	[bflag:$0x2] =	sbarrier.arrive $0xFFFF  }
0x45: {  	[sflag:s0] =	ssyncadd.tile.s32 @!p0 $0x1;
	_ =	shalt  }
.Lfunc_end1:
_tile_overlayer_lowered:
.L_overlay_start_2:
0x46: {  	(tag) =	ssettag $0x2  }
0x47: {  	s0 =	rddreg [dreg:$0x0];
	s2 =	stileid.u32  }
0x48: {  	s1 =	rddreg [dreg:$0x1];
	p0 =	sne.s32 s2, $0x0  }
0x49: {  	s3 =	rddreg [dreg:$0x2];
	[bflag:$0x3] =	sbarrier.arrive $0xFFFF;
	s2 =	simm.s32 @!p0 $0x1C01  }
0x4a: {  	[timem:s3], [sflag:s2] =	dma.local @!p0 [hbm:s0], s1  }
0x4b: {  	s0 =	simm.s32 @!p0 $0x1  }
0x4c: {  	_ =	swait.ge @!p0 [sflag:s0], s1  }
0x4d: {  	s1 =	ssub.s32 @!p0 $0x0, s1;
	[sflag:s0] =	ssyncset.done @!p0 $0x0  }
0x4e: {  	[sflag:s0] =	ssyncadd.s32 @!p0 s1  }
0x4f: {  	[bflag:$0x3] =	sbarrier.arrive $0xFFFF  }
0x50: {  	_ =	shalt  }

</sc_bundles>
